<compile_context>
chip_gen: v7x
topology: tpu7x:2x2x1
jax: 0.10.2.dev20260603
libtpu: 0.0.44.dev20260713+nightly
codegen_flags: <defaults>
</compile_context>

<pallas_src>
import functools

import numpy as np
import jax
import jax.numpy as jnp
from jax.experimental import pallas as pl
from jax.experimental.pallas import tpu as pltpu
from jax.experimental.pallas import tpu_sc as plsc

N_LEVELS = 10
N_FEATS = 8
T = 2 ** 20
BASE_RES = 16
MAX_RES = 1024
FEAT_DIM = 128
_SCALE = np.exp((np.log(MAX_RES) - np.log(BASE_RES)) / (N_LEVELS - 1))
RES = [int(np.floor(BASE_RES * _SCALE ** l)) for l in range(N_LEVELS)]
TSIZE = [min(T, (r + 1) ** 2) for r in RES]
PRIME_I32 = np.uint32(2654435761).astype(np.int32)
HASH_MASK = T - 1

POFF = np.concatenate([[0], np.cumsum(TSIZE[:9])]).astype(np.int32)
OFF9 = int(POFF[9])
MEGA_ROWS = OFF9 + TSIZE[9]

N_SLOTS = 22
N_W = 40
GCOLS = N_SLOTS * 16

BP = 512
BM = 1024
GW = 2048


def _build_maps():
    E = np.zeros((N_W, GCOLS), np.float32)
    rowmap = np.zeros((GCOLS,), np.int32)
    rowmask = np.zeros((GCOLS, 1), np.float32)
    for s in range(18):
        l = s if s < 9 else s - 9
        yc = 0 if s < 9 else 1
        for xc in range(2):
            k = l + 9 * (2 * yc + xc)
            E[k, s * 16 + 8 * xc: s * 16 + 8 * xc + 8] = 1.0
        for j in range(16):
            rowmap[s * 16 + j] = l * 8 + (j % 8)
            rowmask[s * 16 + j] = 1.0
    for c4 in range(4):
        s = 18 + c4
        E[36 + c4, s * 16: s * 16 + 8] = 1.0
        for j in range(8):
            rowmap[s * 16 + j] = 72 + j
            rowmask[s * 16 + j] = 1.0
    return E, rowmap, rowmask


E_NP, ROWMAP_NP, ROWMASK_NP = _build_maps()


def _prep_body(xs_ref, ys_ref, resf_ref, ic_ref, idx_ref, w_ref):
    x = xs_ref[0]
    y = ys_ref[0]
    resv = resf_ref[...]
    rp1v = ic_ref[:, 0:1]
    poffv = ic_ref[:, 1:2]

    px = x * resv
    py = y * resv
    x0f = jnp.clip(jnp.floor(px), 0.0, resv - 1.0)
    y0f = jnp.clip(jnp.floor(py), 0.0, resv - 1.0)
    fx = px - x0f
    fy = py - y0f
    xi = x0f.astype(jnp.int32)
    yi = y0f.astype(jnp.int32)

    base0 = xi + yi * rp1v + poffv
    base1 = base0 + rp1v
    xi9 = xi[9:10]
    yh0 = yi[9:10] * int(PRIME_I32)
    yh1 = (yi[9:10] + 1) * int(PRIME_I32)
    h00 = ((xi9 ^ yh0) & HASH_MASK) + OFF9
    h10 = (((xi9 + 1) ^ yh0) & HASH_MASK) + OFF9
    h01 = ((xi9 ^ yh1) & HASH_MASK) + OFF9
    h11 = (((xi9 + 1) ^ yh1) & HASH_MASK) + OFF9
    idx22 = jnp.concatenate(
        [base0[0:9], base1[0:9], h00, h10, h01, h11], axis=0)
    idx_ref[...] = jnp.transpose(idx22)

    wx0 = 1.0 - fx
    wy0 = 1.0 - fy
    a00 = wx0 * wy0
    a10 = fx * wy0
    a01 = wx0 * fy
    a11 = fx * fy
    w40 = jnp.concatenate(
        [a00[0:9], a10[0:9], a01[0:9], a11[0:9],
         a00[9:10], a10[9:10], a01[9:10], a11[9:10]], axis=0)
    w_ref[...] = jnp.transpose(w40)


def _prep_call(xs3, ys3):
    nb = xs3.shape[0]
    resf = jnp.asarray(np.array(RES, np.float32).reshape(N_LEVELS, 1))
    ic = jnp.asarray(np.stack(
        [np.array([r + 1 for r in RES], np.int32),
         np.concatenate([POFF[:9], [0]]).astype(np.int32)], axis=1))
    return pl.pallas_call(
        _prep_body,
        grid=(nb,),
        in_specs=[pl.BlockSpec((1, 1, BP), lambda i: (i, 0, 0)),
                  pl.BlockSpec((1, 1, BP), lambda i: (i, 0, 0)),
                  pl.BlockSpec((N_LEVELS, 1), lambda i: (0, 0)),
                  pl.BlockSpec((N_LEVELS, 2), lambda i: (0, 0))],
        out_specs=[pl.BlockSpec((BP, N_SLOTS), lambda i: (i, 0)),
                   pl.BlockSpec((BP, N_W), lambda i: (i, 0))],
        out_shape=[jax.ShapeDtypeStruct((nb * BP, N_SLOTS), jnp.int32),
                   jax.ShapeDtypeStruct((nb * BP, N_W), jnp.float32)],
    )(xs3, ys3, resf, ic)


def _gather_sc(mega, idx2):
    g_rows, w = idx2.shape[0] * idx2.shape[1], idx2.shape[1]
    grid = idx2.shape[0]
    mesh = plsc.VectorSubcoreMesh(core_axis_name="c", subcore_axis_name="s")

    @functools.partial(
        pl.kernel,
        out_type=jax.ShapeDtypeStruct((g_rows, 16), jnp.float32),
        mesh=mesh,
        compiler_params=pltpu.CompilerParams(use_tc_tiling_on_sc=False))
    def gather_kernel(mega_hbm, idx_hbm, g_hbm):
        def body(i_vmem, o_vmem):
            pltpu.sync_copy(mega_hbm.at[i_vmem.at[0]], o_vmem)

        pltpu.emit_pipeline(
            body,
            grid=(grid,),
            in_specs=[pl.BlockSpec((1, w), lambda i: (i, 0))],
            out_specs=[pl.BlockSpec((w, 16), lambda i: (i, 0))],
            core_axis_name=("c", "s"),
            dimension_semantics=(pltpu.PARALLEL,),
        )(idx_hbm, g_hbm)

    return gather_kernel(mega, idx2)


def _mlp_body(g_ref, w_ref, e_ref, w1r_ref, b1_ref, w2_ref, b2_ref, o_ref):
    wexp = jnp.dot(w_ref[...], e_ref[...], preferred_element_type=jnp.float32)
    t = g_ref[...] * wexp
    h = jnp.dot(t, w1r_ref[...], preferred_element_type=jnp.float32) + b1_ref[...]
    h = jnp.maximum(h, 0.0)
    o_ref[...] = jnp.dot(h, w2_ref[...], preferred_element_type=jnp.float32) + b2_ref[...]


def _mlp_call(gm, w, e, w1r, b1, w2, b2):
    n = gm.shape[0]
    nb = n // BM
    hid = w1r.shape[1]
    return pl.pallas_call(
        _mlp_body,
        grid=(nb,),
        in_specs=[pl.BlockSpec((BM, GCOLS), lambda i: (i, 0)),
                  pl.BlockSpec((BM, N_W), lambda i: (i, 0)),
                  pl.BlockSpec((N_W, GCOLS), lambda i: (0, 0)),
                  pl.BlockSpec((GCOLS, hid), lambda i: (0, 0)),
                  pl.BlockSpec((1, hid), lambda i: (0, 0)),
                  pl.BlockSpec((hid, FEAT_DIM), lambda i: (0, 0)),
                  pl.BlockSpec((1, FEAT_DIM), lambda i: (0, 0))],
        out_specs=pl.BlockSpec((BM, FEAT_DIM), lambda i: (i, 0)),
        out_shape=jax.ShapeDtypeStruct((n, FEAT_DIM), jnp.float32),
    )(gm, w, e, w1r, b1, w2, b2)


def kernel(coords, table0, table1, table2, table3, table4, table5, table6,
           table7, table8, table9, W1, b1, W2, b2):
    tables = [table0, table1, table2, table3, table4, table5, table6,
              table7, table8, table9]
    n = coords.shape[0]
    nb = n // BP

    parts = [jnp.concatenate([t, jnp.roll(t, -1, axis=0)], axis=1)
             for t in tables[:9]]
    parts.append(jnp.concatenate([tables[9], jnp.zeros_like(tables[9])], axis=1))
    mega = jnp.concatenate(parts, axis=0)

    xs3 = coords[:, 0].reshape(nb, 1, BP)
    ys3 = coords[:, 1].reshape(nb, 1, BP)
    idx, w = _prep_call(xs3, ys3)

    idx2 = idx.reshape(n * N_SLOTS // GW, GW)

    g = _gather_sc(mega, idx2)
    gm = g.reshape(n, GCOLS)

    e = jnp.asarray(E_NP)
    w1r = jnp.take(W1, jnp.asarray(ROWMAP_NP), axis=0) * jnp.asarray(ROWMASK_NP)
    out = _mlp_call(gm, w, e, w1r, b1.reshape(1, -1), W2, b2.reshape(1, -1))
    return out

# --- scband reference (transcript-rebuilt; emitter-appended) ---
"""Pipeline reference for scband-neural-field-68590627717362 (READ-ONLY COPY).

The authoritative reference and input builder live on the scoring server;
editing this copy changes nothing except your own understanding.
"""

import jax, jax.numpy as jnp
import numpy as np

N_LEVELS = 10
N_FEATS = 8
LOG2_T = 20
T = 2 ** LOG2_T
BASE_RES = 16
MAX_RES = 1024
FEAT_DIM = 128
N_POINTS = 262144
SCALE = np.exp((np.log(MAX_RES) - np.log(BASE_RES)) / (N_LEVELS - 1))
RESOLUTIONS = [int(np.floor(BASE_RES * SCALE ** l)) for l in range(N_LEVELS)]
TABLE_SIZES = [min(T, (r + 1) ** 2) for r in RESOLUTIONS]
PRIME_Y = np.uint32(2654435761)


def setup_inputs(seed: int = 0) -> dict:
    key = jax.random.key(seed)
    ks = jax.random.split(key, N_LEVELS + 4)
    inp = {}
    inp['coords'] = jax.random.uniform(ks[0], (N_POINTS, 2), dtype=jnp.float32)
    for l in range(N_LEVELS):
        inp['table%d' % l] = (jax.random.uniform(ks[1 + l], (TABLE_SIZES[l], N_FEATS), dtype=jnp.float32) * 2.0 - 1.0) * 1e-4
    d_in = N_LEVELS * N_FEATS
    hid = FEAT_DIM // 2
    inp['W1'] = jax.random.normal(ks[N_LEVELS + 1], (d_in, hid), dtype=jnp.float32) / np.sqrt(d_in)
    inp['b1'] = jnp.zeros((hid,), dtype=jnp.float32)
    inp['W2'] = jax.random.normal(ks[N_LEVELS + 2], (hid, FEAT_DIM), dtype=jnp.float32) / np.sqrt(hid)
    inp['b2'] = jnp.zeros((FEAT_DIM,), dtype=jnp.float32)
    return inp


def _encode_level(coords, table, res):
    # coords: [N, 2] in [0, 1]; table: [tsize, F]
    tsize = table.shape[0]
    pos = coords * res
    pf = jnp.clip(jnp.floor(pos), 0.0, float(res - 1))
    frac = pos - pf
    pi = pf.astype(jnp.uint32)
    x0 = pi[:, 0]
    y0 = pi[:, 1]
    x1 = x0 + jnp.uint32(1)
    y1 = y0 + jnp.uint32(1)
    dense = (res + 1) ** 2 <= T

    def idx(x, y):
        if dense:
            return (x + y * jnp.uint32(res + 1)).astype(jnp.int32)
        h = x ^ (y * PRIME_Y)
        return (h % jnp.uint32(tsize)).astype(jnp.int32)

    f00 = jnp.take(table, idx(x0, y0), axis=0)
    f10 = jnp.take(table, idx(x1, y0), axis=0)
    f01 = jnp.take(table, idx(x0, y1), axis=0)
    f11 = jnp.take(table, idx(x1, y1), axis=0)
    fx = frac[:, 0:1]
    fy = frac[:, 1:2]
    return (f00 * (1.0 - fx) * (1.0 - fy) + f10 * fx * (1.0 - fy)
            + f01 * (1.0 - fx) * fy + f11 * fx * fy)


def reference(coords, table0, table1, table2, table3, table4, table5, table6, table7, table8, table9, W1, b1, W2, b2):
    tables = [table0, table1, table2, table3, table4, table5, table6, table7, table8, table9]
    flat = coords.reshape(-1, 2)
    feats = [_encode_level(flat, tables[l], RESOLUTIONS[l]) for l in range(N_LEVELS)]
    feat = jnp.concatenate(feats, axis=-1)
    h = jax.nn.relu(feat @ W1 + b1)
    out = h @ W2 + b2
    return out.reshape(coords.shape[:-1] + (FEAT_DIM,))

if __name__ == "__main__":
    import jax
    _d = setup_inputs()
    print(jax.jit(kernel)(*tuple(_d.values())))

</pallas_src>

<mosaic_0001>
#map = affine_map<(d0, d1) -> (0, 0)>
module attributes {stable_mosaic.version = 14 : i64} {
  func.func @gather_kernel(%arg0: i32, %arg1: i32, %arg2: memref<1741109x16xf32, #tpu.memory_space<hbm>>, %arg3: memref<2816x2048xi32, #tpu.memory_space<hbm>>, %arg4: memref<5767168x16xf32, #tpu.memory_space<hbm>>) attributes {dimension_semantics = [#tpu.dimension_semantics<core_parallel>, #tpu.dimension_semantics<subcore_parallel>], iteration_bounds = array<i64: 2, 16>, scalar_prefetch = 0 : i64, scratch_operands = 0 : i64, tpu.core_type = #tpu.core_type<sc_vector_subcore>, window_params = [{transform_indices = #map}, {transform_indices = #map}, {transform_indices = #map}]} {
    %mul3A = arith.constant 1 : i32
    %mul3A_0 = arith.muli %arg1, %mul3A : i32
    %add3A = arith.constant 0 : i32
    %add3A_1 = arith.addi %add3A, %mul3A_0 : i32
    %mul3A_2 = arith.constant 16 : i32
    %mul3A_3 = arith.muli %arg0, %mul3A_2 : i32
    %add3A_4 = arith.addi %add3A_1, %mul3A_3 : i32
    %mul3A_5 = arith.constant 88 : i32
    %mul3A_6 = arith.muli %add3A_4, %mul3A_5 : i32
    "tpu.region"() ({
      %run_scoped3A = memref.alloca() : memref<2x1x2048xi32, #tpu.memory_space<vmem>>
      %run_scoped3A_7 = tpu.sem_alloc : memref<2x!tpu.dma_semaphore, #tpu.memory_space<semaphore_mem>>
      %run_scoped3A_8 = memref.alloca() : memref<2x2048x16xf32, #tpu.memory_space<vmem>>
      %run_scoped3A_9 = tpu.sem_alloc : memref<2x!tpu.dma_semaphore, #tpu.memory_space<semaphore_mem>>
      %add3A_10 = arith.constant 0 : i32
      %add3A_11 = arith.addi %add3A_10, %mul3A_6 : i32
      %select_n3A = arith.constant true
      %select_n3A_12 = arith.constant 0 : i32
      %select_n3A_13 = arith.constant -1 : i32
      %select_n3A_14 = arith.select %select_n3A, %select_n3A_13, %select_n3A_12 : i32
      %eq3A = arith.constant -1 : i32
      %eq3A_15 = arith.cmpi eq, %select_n3A_14, %eq3A : i32
      %select_n3A_16 = arith.constant 87 : i32
      %select_n3A_17 = arith.select %eq3A_15, %select_n3A_16, %select_n3A_14 : i32
      %add3A_18 = arith.addi %select_n3A_17, %mul3A_6 : i32
      %select_n3A_19 = arith.constant true
      %select_n3A_20 = arith.constant 0 : i32
      %select_n3A_21 = arith.constant 1 : i32
      %select_n3A_22 = arith.select %select_n3A_19, %select_n3A_21, %select_n3A_20 : i32
      %eq3A_23 = arith.constant 88 : i32
      %eq3A_24 = arith.cmpi eq, %select_n3A_22, %eq3A_23 : i32
      %select_n3A_25 = arith.constant 0 : i32
      %select_n3A_26 = arith.select %eq3A_24, %select_n3A_25, %select_n3A_22 : i32
      %add3A_27 = arith.addi %select_n3A_26, %mul3A_6 : i32
      %add3A_28 = arith.constant 1 : i32
      %add3A_29 = arith.addi %select_n3A_26, %add3A_28 : i32
      %select_n3A_30 = arith.constant true
      %select_n3A_31 = arith.select %select_n3A_30, %add3A_29, %select_n3A_26 : i32
      %eq3A_32 = arith.constant 88 : i32
      %eq3A_33 = arith.cmpi eq, %select_n3A_31, %eq3A_32 : i32
      %select_n3A_34 = arith.constant 0 : i32
      %select_n3A_35 = arith.select %eq3A_33, %select_n3A_34, %select_n3A_31 : i32
      %add3A_36 = arith.addi %select_n3A_35, %mul3A_6 : i32
      "tpu.trace_start"() <{level = 10 : i32, message = "ep_initialize_0"}> : () -> ()
      %rem3A = arith.constant 0 : i32
      %rem3A_37 = arith.constant 2 : i32
      %rem3A_38 = arith.remui %rem3A, %rem3A_37 : i32
      %mul3A_39 = arith.constant 1 : i32
      %mul3A_40 = arith.muli %mul3A_39, %add3A_11 : i32
      %dma_start3A = arith.constant 0 : i32
      %dma_start3A_41 = arith.constant 0 : i32
      %dma_start3A_42 = tpu.memref_slice %run_scoped3A[%rem3A_38, %dma_start3A, %dma_start3A_41] : memref<2x1x2048xi32, #tpu.memory_space<vmem>> -> memref<1x1x2048xi32, #tpu.memory_space<vmem>>
      %dma_start3A_43 = tpu.memref_squeeze %dma_start3A_42 : memref<1x1x2048xi32, #tpu.memory_space<vmem>> -> memref<1x2048xi32, #tpu.memory_space<vmem>>
      %dma_start3A_44 = arith.constant 0 : i32
      %dma_start3A_45 = tpu.memref_slice %arg3[%mul3A_40, %dma_start3A_44] : memref<2816x2048xi32, #tpu.memory_space<hbm>> -> memref<1x2048xi32, #tpu.memory_space<hbm>>
      %dma_start3A_46 = tpu.memref_slice %run_scoped3A_7[%rem3A_38] : memref<2x!tpu.dma_semaphore, #tpu.memory_space<semaphore_mem>> -> memref<1x!tpu.dma_semaphore, #tpu.memory_space<semaphore_mem>>
      %dma_start3A_47 = tpu.memref_squeeze %dma_start3A_46 : memref<1x!tpu.dma_semaphore, #tpu.memory_space<semaphore_mem>> -> memref<!tpu.dma_semaphore, #tpu.memory_space<semaphore_mem>>
      %dma_start3A_48 = arith.constant 0 : i32
      %dma_start3A_49 = arith.constant 0 : i32
      %dma_start3A_50 = tpu.memref_slice %run_scoped3A[%rem3A_38, %dma_start3A_48, %dma_start3A_49] : memref<2x1x2048xi32, #tpu.memory_space<vmem>> -> memref<1x1x2048xi32, #tpu.memory_space<vmem>>
      %dma_start3A_51 = tpu.memref_squeeze %dma_start3A_50 : memref<1x1x2048xi32, #tpu.memory_space<vmem>> -> memref<1x2048xi32, #tpu.memory_space<vmem>>
      %dma_start3A_52 = arith.constant 0 : i32
      %dma_start3A_53 = tpu.memref_slice %arg3[%mul3A_40, %dma_start3A_52] : memref<2816x2048xi32, #tpu.memory_space<hbm>> -> memref<1x2048xi32, #tpu.memory_space<hbm>>
      tpu.enqueue_dma source(%dma_start3A_53 : memref<1x2048xi32, #tpu.memory_space<hbm>>) target(%dma_start3A_51 : memref<1x2048xi32, #tpu.memory_space<vmem>>) target_semaphore(%dma_start3A_47 : memref<!tpu.dma_semaphore, #tpu.memory_space<semaphore_mem>>)
      %add3A_54 = arith.constant 0 : i32
      %add3A_55 = arith.constant 1 : i32
      %add3A_56 = arith.addi %add3A_54, %add3A_55 : i32
      %select_n3A_57 = arith.constant true
      %select_n3A_58 = arith.constant 0 : i32
      %select_n3A_59 = arith.select %select_n3A_57, %add3A_56, %select_n3A_58 : i32
      "tpu.trace_stop"() : () -> ()
      %scan3A = arith.constant 0 : i32
      %scan3A_60 = arith.constant 0 : i32
      %scan3A_61 = arith.constant 0 : i32
      %scan3A_62 = arith.constant 0 : i32
      %scan3A_63 = arith.constant 0 : i32
      %scan3A_64 = arith.constant 88 : i32
      %scan3A_65 = arith.addi %scan3A_63, %scan3A_64 : i32
      %scan3A_66 = arith.constant 1 : i32
      %scan3A_67:5 = scf.for %scan3A_121 = %scan3A_63 to %scan3A_65 step %scan3A_66 iter_args(%scan3A_122 = %select_n3A_59, %scan3A_123 = %scan3A, %scan3A_124 = %scan3A_60, %scan3A_125 = %scan3A_61, %scan3A_126 = %scan3A_62) -> (i32, i32, i32, i32, i32)  : i32 {
        %eq3A_127 = arith.constant 0 : i32
        %eq3A_128 = arith.cmpi eq, %scan3A_121, %eq3A_127 : i32
        %eq3A_129 = arith.constant 87 : i32
        %eq3A_130 = arith.cmpi eq, %scan3A_121, %eq3A_129 : i32
        %add3A_131 = arith.addi %scan3A_126, %mul3A_6 : i32
        %sub3A_132 = arith.constant 1 : i32
        %sub3A_133 = arith.subi %scan3A_126, %sub3A_132 : i32
        %select_n3A_134 = arith.constant true
        %select_n3A_135 = arith.select %select_n3A_134, %sub3A_133, %scan3A_126 : i32
        %eq3A_136 = arith.constant -1 : i32
        %eq3A_137 = arith.cmpi eq, %select_n3A_135, %eq3A_136 : i32
        %select_n3A_138 = arith.constant 87 : i32
        %select_n3A_139 = arith.select %eq3A_137, %select_n3A_138, %select_n3A_135 : i32
        %add3A_140 = arith.addi %select_n3A_139, %mul3A_6 : i32
        %add3A_141 = arith.constant 1 : i32
        %add3A_142 = arith.addi %scan3A_126, %add3A_141 : i32
        %select_n3A_143 = arith.constant true
        %select_n3A_144 = arith.select %select_n3A_143, %add3A_142, %scan3A_126 : i32
        %eq3A_145 = arith.constant 88 : i32
        %eq3A_146 = arith.cmpi eq, %select_n3A_144, %eq3A_145 : i32
        %select_n3A_147 = arith.constant 0 : i32
        %select_n3A_148 = arith.select %eq3A_146, %select_n3A_147, %select_n3A_144 : i32
        %add3A_149 = arith.addi %select_n3A_148, %mul3A_6 : i32
        %add3A_150 = arith.constant 1 : i32
        %add3A_151 = arith.addi %select_n3A_148, %add3A_150 : i32
        %select_n3A_152 = arith.constant true
        %select_n3A_153 = arith.select %select_n3A_152, %add3A_151, %select_n3A_148 : i32
        %eq3A_154 = arith.constant 88 : i32
        %eq3A_155 = arith.cmpi eq, %select_n3A_153, %eq3A_154 : i32
        %select_n3A_156 = arith.constant 0 : i32
        %select_n3A_157 = arith.select %eq3A_155, %select_n3A_156, %select_n3A_153 : i32
        %add3A_158 = arith.addi %select_n3A_157, %mul3A_6 : i32
        %ne3A = arith.cmpi ne, %add3A_131, %add3A_149 : i32
        %or3A = arith.constant false
        %or3A_159 = arith.ori %or3A, %ne3A : i1
        %or3A_160 = arith.constant false
        %or3A_161 = arith.ori %or3A_159, %or3A_160 : i1
        %ge3A = arith.constant 87 : i32
        %ge3A_162 = arith.cmpi sge, %scan3A_121, %ge3A : i32
        %not3A = arith.constant true
        %not3A_163 = arith.xori %ge3A_162, %not3A : i1
        %and3A = arith.andi %or3A_161, %not3A_163 : i1
        %convert_element_type3A = arith.extui %and3A : i1 to i32
        %cond3A = arith.constant 0 : i32
        %cond3A_164 = arith.cmpi ne, %convert_element_type3A, %cond3A : i32
        scf.if %cond3A_164 {
          "tpu.trace_start"() <{level = 10 : i32, message = "ep_copy_in"}> : () -> ()
          %rem3A_274 = arith.constant 2 : i32
          %rem3A_275 = arith.remui %scan3A_122, %rem3A_274 : i32
          %mul3A_276 = arith.constant 1 : i32
          %mul3A_277 = arith.muli %mul3A_276, %add3A_149 : i32
          %dma_start3A_278 = arith.constant 0 : i32
          %dma_start3A_279 = arith.constant 0 : i32
          %dma_start3A_280 = tpu.memref_slice %run_scoped3A[%rem3A_275, %dma_start3A_278, %dma_start3A_279] : memref<2x1x2048xi32, #tpu.memory_space<vmem>> -> memref<1x1x2048xi32, #tpu.memory_space<vmem>>
          %dma_start3A_281 = tpu.memref_squeeze %dma_start3A_280 : memref<1x1x2048xi32, #tpu.memory_space<vmem>> -> memref<1x2048xi32, #tpu.memory_space<vmem>>
          %dma_start3A_282 = arith.constant 0 : i32
          %dma_start3A_283 = tpu.memref_slice %arg3[%mul3A_277, %dma_start3A_282] : memref<2816x2048xi32, #tpu.memory_space<hbm>> -> memref<1x2048xi32, #tpu.memory_space<hbm>>
          %dma_start3A_284 = tpu.memref_slice %run_scoped3A_7[%rem3A_275] : memref<2x!tpu.dma_semaphore, #tpu.memory_space<semaphore_mem>> -> memref<1x!tpu.dma_semaphore, #tpu.memory_space<semaphore_mem>>
          %dma_start3A_285 = tpu.memref_squeeze %dma_start3A_284 : memref<1x!tpu.dma_semaphore, #tpu.memory_space<semaphore_mem>> -> memref<!tpu.dma_semaphore, #tpu.memory_space<semaphore_mem>>
          %dma_start3A_286 = arith.constant 0 : i32
          %dma_start3A_287 = arith.constant 0 : i32
          %dma_start3A_288 = tpu.memref_slice %run_scoped3A[%rem3A_275, %dma_start3A_286, %dma_start3A_287] : memref<2x1x2048xi32, #tpu.memory_space<vmem>> -> memref<1x1x2048xi32, #tpu.memory_space<vmem>>
          %dma_start3A_289 = tpu.memref_squeeze %dma_start3A_288 : memref<1x1x2048xi32, #tpu.memory_space<vmem>> -> memref<1x2048xi32, #tpu.memory_space<vmem>>
          %dma_start3A_290 = arith.constant 0 : i32
          %dma_start3A_291 = tpu.memref_slice %arg3[%mul3A_277, %dma_start3A_290] : memref<2816x2048xi32, #tpu.memory_space<hbm>> -> memref<1x2048xi32, #tpu.memory_space<hbm>>
          tpu.enqueue_dma source(%dma_start3A_291 : memref<1x2048xi32, #tpu.memory_space<hbm>>) target(%dma_start3A_289 : memref<1x2048xi32, #tpu.memory_space<vmem>>) target_semaphore(%dma_start3A_285 : memref<!tpu.dma_semaphore, #tpu.memory_space<semaphore_mem>>)
          "tpu.trace_stop"() : () -> ()
        } else {
        }
        %and3A_165 = arith.constant true
        %and3A_166 = arith.andi %and3A, %and3A_165 : i1
        %add3A_167 = arith.constant 1 : i32
        %add3A_168 = arith.addi %scan3A_122, %add3A_167 : i32
        %select_n3A_169 = arith.select %and3A_166, %add3A_168, %scan3A_122 : i32
        %ne3A_170 = arith.cmpi ne, %add3A_131, %add3A_149 : i32
        %or3A_171 = arith.constant false
        %or3A_172 = arith.ori %or3A_171, %ne3A_170 : i1
        %or3A_173 = arith.constant false
        %or3A_174 = arith.ori %or3A_172, %or3A_173 : i1
        %ge3A_175 = arith.constant 87 : i32
        %ge3A_176 = arith.cmpi sge, %scan3A_121, %ge3A_175 : i32
        %not3A_177 = arith.constant true
        %not3A_178 = arith.xori %ge3A_176, %not3A_177 : i1
        %and3A_179 = arith.andi %or3A_174, %not3A_178 : i1
        %ne3A_180 = arith.cmpi ne, %add3A_131, %add3A_140 : i32
        %or3A_181 = arith.constant false
        %or3A_182 = arith.ori %or3A_181, %ne3A_180 : i1
        %or3A_183 = arith.constant false
        %or3A_184 = arith.ori %or3A_182, %or3A_183 : i1
        %or3A_185 = arith.ori %or3A_184, %eq3A_128 : i1
        %convert_element_type3A_186 = arith.extui %or3A_185 : i1 to i32
        %cond3A_187 = arith.constant 0 : i32
        %cond3A_188 = arith.cmpi ne, %convert_element_type3A_186, %cond3A_187 : i32
        scf.if %cond3A_188 {
          "tpu.trace_start"() <{level = 10 : i32, message = "ep_wait_in"}> : () -> ()
          %mul3A_274 = arith.constant 1 : i32
          %mul3A_275 = arith.muli %mul3A_274, %add3A_131 : i32
          %rem3A_276 = arith.constant 2 : i32
          %rem3A_277 = arith.remui %scan3A_123, %rem3A_276 : i32
          %dma_wait3A_278 = arith.constant 0 : i32
          %dma_wait3A_279 = arith.constant 0 : i32
          %dma_wait3A_280 = tpu.memref_slice %run_scoped3A[%rem3A_277, %dma_wait3A_278, %dma_wait3A_279] : memref<2x1x2048xi32, #tpu.memory_space<vmem>> -> memref<1x1x2048xi32, #tpu.memory_space<vmem>>
          %dma_wait3A_281 = tpu.memref_squeeze %dma_wait3A_280 : memref<1x1x2048xi32, #tpu.memory_space<vmem>> -> memref<1x2048xi32, #tpu.memory_space<vmem>>
          %dma_wait3A_282 = arith.constant 0 : i32
          %dma_wait3A_283 = tpu.memref_slice %arg3[%mul3A_275, %dma_wait3A_282] : memref<2816x2048xi32, #tpu.memory_space<hbm>> -> memref<1x2048xi32, #tpu.memory_space<hbm>>
          %dma_wait3A_284 = tpu.memref_slice %run_scoped3A_7[%rem3A_277] : memref<2x!tpu.dma_semaphore, #tpu.memory_space<semaphore_mem>> -> memref<1x!tpu.dma_semaphore, #tpu.memory_space<semaphore_mem>>
          %dma_wait3A_285 = tpu.memref_squeeze %dma_wait3A_284 : memref<1x!tpu.dma_semaphore, #tpu.memory_space<semaphore_mem>> -> memref<!tpu.dma_semaphore, #tpu.memory_space<semaphore_mem>>
          %dma_wait3A_286 = arith.constant 0 : i32
          %dma_wait3A_287 = arith.constant 0 : i32
          %dma_wait3A_288 = tpu.memref_slice %run_scoped3A[%rem3A_277, %dma_wait3A_286, %dma_wait3A_287] : memref<2x1x2048xi32, #tpu.memory_space<vmem>> -> memref<1x1x2048xi32, #tpu.memory_space<vmem>>
          %dma_wait3A_289 = tpu.memref_squeeze %dma_wait3A_288 : memref<1x1x2048xi32, #tpu.memory_space<vmem>> -> memref<1x2048xi32, #tpu.memory_space<vmem>>
          %dma_wait3A_290 = arith.constant 0 : i32
          %dma_wait3A_291 = tpu.memref_slice %arg3[%mul3A_275, %dma_wait3A_290] : memref<2816x2048xi32, #tpu.memory_space<hbm>> -> memref<1x2048xi32, #tpu.memory_space<hbm>>
          tpu.wait_dma2 semaphore(%dma_wait3A_285 : memref<!tpu.dma_semaphore, #tpu.memory_space<semaphore_mem>>) src(%dma_wait3A_291 : memref<1x2048xi32, #tpu.memory_space<hbm>>) dst(%dma_wait3A_289 : memref<1x2048xi32, #tpu.memory_space<vmem>>)
          "tpu.trace_stop"() : () -> ()
        } else {
        }
        %ne3A_189 = arith.cmpi ne, %add3A_131, %add3A_140 : i32
        %or3A_190 = arith.constant false
        %or3A_191 = arith.ori %or3A_190, %ne3A_189 : i1
        %or3A_192 = arith.constant false
        %or3A_193 = arith.ori %or3A_191, %or3A_192 : i1
        %or3A_194 = arith.ori %or3A_193, %eq3A_128 : i1
        %convert_element_type3A_195 = arith.extui %or3A_194 : i1 to i32
        %cond3A_196 = arith.constant 0 : i32
        %cond3A_197 = arith.cmpi ne, %convert_element_type3A_195, %cond3A_196 : i32
        scf.if %cond3A_197 {
        } else {
        }
        %rem3A_198 = arith.constant 2 : i32
        %rem3A_199 = arith.remui %scan3A_123, %rem3A_198 : i32
        %rem3A_200 = arith.constant 2 : i32
        %rem3A_201 = arith.remui %scan3A_124, %rem3A_200 : i32
        %run_scoped3A_202 = arith.constant 0 : i32
        "tpu.trace_start"() <{level = 10 : i32, message = "ep_run_kernel"}> : () -> ()
        "tpu.region"() ({
          %run_scoped3A_274 = tpu.sem_alloc : memref<!tpu.dma_semaphore, #tpu.memory_space<semaphore_mem>>
          %dma_start3A_275 = arith.constant 0 : i32
          %dma_start3A_276 = arith.constant 0 : i32
          %dma_start3A_277 = tpu.memref_slice %run_scoped3A_8[%rem3A_201, %dma_start3A_275, %dma_start3A_276] : memref<2x2048x16xf32, #tpu.memory_space<vmem>> -> memref<1x2048x16xf32, #tpu.memory_space<vmem>>
          %dma_start3A_278 = tpu.memref_squeeze %dma_start3A_277 : memref<1x2048x16xf32, #tpu.memory_space<vmem>> -> memref<2048x16xf32, #tpu.memory_space<vmem>>
          %dma_start3A_279 = arith.constant 0 : i32
          %dma_start3A_280 = arith.constant 0 : i32
          %dma_start3A_281 = tpu.memref_slice %run_scoped3A[%rem3A_199, %dma_start3A_279, %dma_start3A_280] : memref<2x1x2048xi32, #tpu.memory_space<vmem>> -> memref<1x1x2048xi32, #tpu.memory_space<vmem>>
          %dma_start3A_282 = tpu.memref_squeeze %dma_start3A_281 : memref<1x1x2048xi32, #tpu.memory_space<vmem>> -> memref<1x2048xi32, #tpu.memory_space<vmem>>
          %dma_start3A_283 = arith.constant 0 : i32
          %dma_start3A_284 = tpu.memref_slice %dma_start3A_282[%run_scoped3A_202, %dma_start3A_283] : memref<1x2048xi32, #tpu.memory_space<vmem>> -> memref<1x2048xi32, #tpu.memory_space<vmem>>
          %dma_start3A_285 = tpu.memref_squeeze %dma_start3A_284 : memref<1x2048xi32, #tpu.memory_space<vmem>> -> memref<2048xi32, #tpu.memory_space<vmem>>
          %dma_start3A_286 = arith.constant 0 : i32
          %dma_start3A_287 = arith.constant 0 : i32
          %dma_start3A_288 = tpu.memref_slice %arg2[%dma_start3A_286, %dma_start3A_287] : memref<1741109x16xf32, #tpu.memory_space<hbm>> -> memref<1741109x16xf32, #tpu.memory_space<hbm>>
          tpu.enqueue_indirect_dma source(%dma_start3A_288 : memref<1741109x16xf32, #tpu.memory_space<hbm>>) target(%dma_start3A_278 : memref<2048x16xf32, #tpu.memory_space<vmem>>) offsets(%dma_start3A_285 : memref<2048xi32, #tpu.memory_space<vmem>>) semaphore(%run_scoped3A_274 : memref<!tpu.dma_semaphore, #tpu.memory_space<semaphore_mem>>)
          %dma_wait3A_289 = arith.constant 0 : i32
          %dma_wait3A_290 = arith.constant 0 : i32
          %dma_wait3A_291 = tpu.memref_slice %run_scoped3A_8[%rem3A_201, %dma_wait3A_289, %dma_wait3A_290] : memref<2x2048x16xf32, #tpu.memory_space<vmem>> -> memref<1x2048x16xf32, #tpu.memory_space<vmem>>
          %dma_wait3A_292 = tpu.memref_squeeze %dma_wait3A_291 : memref<1x2048x16xf32, #tpu.memory_space<vmem>> -> memref<2048x16xf32, #tpu.memory_space<vmem>>
          %dma_wait3A_293 = arith.constant 0 : i32
          %dma_wait3A_294 = arith.constant 0 : i32
          %dma_wait3A_295 = tpu.memref_slice %run_scoped3A[%rem3A_199, %dma_wait3A_293, %dma_wait3A_294] : memref<2x1x2048xi32, #tpu.memory_space<vmem>> -> memref<1x1x2048xi32, #tpu.memory_space<vmem>>
          %dma_wait3A_296 = tpu.memref_squeeze %dma_wait3A_295 : memref<1x1x2048xi32, #tpu.memory_space<vmem>> -> memref<1x2048xi32, #tpu.memory_space<vmem>>
          %dma_wait3A_297 = arith.constant 0 : i32
          %dma_wait3A_298 = tpu.memref_slice %dma_wait3A_296[%run_scoped3A_202, %dma_wait3A_297] : memref<1x2048xi32, #tpu.memory_space<vmem>> -> memref<1x2048xi32, #tpu.memory_space<vmem>>
          %dma_wait3A_299 = tpu.memref_squeeze %dma_wait3A_298 : memref<1x2048xi32, #tpu.memory_space<vmem>> -> memref<2048xi32, #tpu.memory_space<vmem>>
          %dma_wait3A_300 = arith.constant 0 : i32
          %dma_wait3A_301 = arith.constant 0 : i32
          %dma_wait3A_302 = tpu.memref_slice %arg2[%dma_wait3A_300, %dma_wait3A_301] : memref<1741109x16xf32, #tpu.memory_space<hbm>> -> memref<1741109x16xf32, #tpu.memory_space<hbm>>
          tpu.wait_indirect_dma semaphore(%run_scoped3A_274 : memref<!tpu.dma_semaphore, #tpu.memory_space<semaphore_mem>>) src(%dma_wait3A_302 : memref<1741109x16xf32, #tpu.memory_space<hbm>>) dst(%dma_wait3A_292 : memref<2048x16xf32, #tpu.memory_space<vmem>>)
          tpu.yield
        }) : () -> ()
        "tpu.trace_stop"() : () -> ()
        %ne3A_203 = arith.cmpi ne, %add3A_131, %add3A_149 : i32
        %or3A_204 = arith.constant false
        %or3A_205 = arith.ori %or3A_204, %ne3A_203 : i1
        %or3A_206 = arith.constant false
        %or3A_207 = arith.ori %or3A_205, %or3A_206 : i1
        %or3A_208 = arith.ori %or3A_207, %eq3A_130 : i1
        %convert_element_type3A_209 = arith.extui %or3A_208 : i1 to i32
        %cond3A_210 = arith.constant 0 : i32
        %cond3A_211 = arith.cmpi ne, %convert_element_type3A_209, %cond3A_210 : i32
        scf.if %cond3A_211 {
        } else {
        }
        %and3A_212 = arith.constant false
        %and3A_213 = arith.andi %or3A_208, %and3A_212 : i1
        %ne3A_214 = arith.cmpi ne, %add3A_131, %add3A_149 : i32
        %or3A_215 = arith.constant false
        %or3A_216 = arith.ori %or3A_215, %ne3A_214 : i1
        %or3A_217 = arith.constant false
        %or3A_218 = arith.ori %or3A_216, %or3A_217 : i1
        %or3A_219 = arith.ori %or3A_218, %eq3A_130 : i1
        %convert_element_type3A_220 = arith.extui %or3A_219 : i1 to i32
        %cond3A_221 = arith.constant 0 : i32
        %cond3A_222 = arith.cmpi ne, %convert_element_type3A_220, %cond3A_221 : i32
        scf.if %cond3A_222 {
          "tpu.trace_start"() <{level = 10 : i32, message = "ep_copy_out"}> : () -> ()
          %rem3A_274 = arith.constant 2 : i32
          %rem3A_275 = arith.remui %scan3A_124, %rem3A_274 : i32
          %mul3A_276 = arith.constant 2048 : i32
          %mul3A_277 = arith.muli %mul3A_276, %add3A_131 : i32
          %dma_start3A_278 = arith.constant 0 : i32
          %dma_start3A_279 = arith.constant 0 : i32
          %dma_start3A_280 = tpu.memref_slice %run_scoped3A_8[%rem3A_275, %dma_start3A_278, %dma_start3A_279] : memref<2x2048x16xf32, #tpu.memory_space<vmem>> -> memref<1x2048x16xf32, #tpu.memory_space<vmem>>
          %dma_start3A_281 = tpu.memref_squeeze %dma_start3A_280 : memref<1x2048x16xf32, #tpu.memory_space<vmem>> -> memref<2048x16xf32, #tpu.memory_space<vmem>>
          %dma_start3A_282 = arith.constant 0 : i32
          %dma_start3A_283 = tpu.memref_slice %arg4[%mul3A_277, %dma_start3A_282] : memref<5767168x16xf32, #tpu.memory_space<hbm>> -> memref<2048x16xf32, #tpu.memory_space<hbm>>
          %dma_start3A_284 = tpu.memref_slice %run_scoped3A_9[%rem3A_275] : memref<2x!tpu.dma_semaphore, #tpu.memory_space<semaphore_mem>> -> memref<1x!tpu.dma_semaphore, #tpu.memory_space<semaphore_mem>>
          %dma_start3A_285 = tpu.memref_squeeze %dma_start3A_284 : memref<1x!tpu.dma_semaphore, #tpu.memory_space<semaphore_mem>> -> memref<!tpu.dma_semaphore, #tpu.memory_space<semaphore_mem>>
          %dma_start3A_286 = arith.constant 0 : i32
          %dma_start3A_287 = tpu.memref_slice %arg4[%mul3A_277, %dma_start3A_286] : memref<5767168x16xf32, #tpu.memory_space<hbm>> -> memref<2048x16xf32, #tpu.memory_space<hbm>>
          %dma_start3A_288 = arith.constant 0 : i32
          %dma_start3A_289 = arith.constant 0 : i32
          %dma_start3A_290 = tpu.memref_slice %run_scoped3A_8[%rem3A_275, %dma_start3A_288, %dma_start3A_289] : memref<2x2048x16xf32, #tpu.memory_space<vmem>> -> memref<1x2048x16xf32, #tpu.memory_space<vmem>>
          %dma_start3A_291 = tpu.memref_squeeze %dma_start3A_290 : memref<1x2048x16xf32, #tpu.memory_space<vmem>> -> memref<2048x16xf32, #tpu.memory_space<vmem>>
          tpu.enqueue_dma source(%dma_start3A_291 : memref<2048x16xf32, #tpu.memory_space<vmem>>) target(%dma_start3A_287 : memref<2048x16xf32, #tpu.memory_space<hbm>>) target_semaphore(%dma_start3A_285 : memref<!tpu.dma_semaphore, #tpu.memory_space<semaphore_mem>>)
          "tpu.trace_stop"() : () -> ()
        } else {
        }
        %and3A_223 = arith.constant true
        %and3A_224 = arith.andi %or3A_219, %and3A_223 : i1
        %add3A_225 = arith.constant 1 : i32
        %add3A_226 = arith.addi %scan3A_124, %add3A_225 : i32
        %select_n3A_227 = arith.select %and3A_224, %add3A_226, %scan3A_124 : i32
        %ne3A_228 = arith.cmpi ne, %add3A_131, %add3A_140 : i32
        %or3A_229 = arith.constant false
        %or3A_230 = arith.ori %or3A_229, %ne3A_228 : i1
        %or3A_231 = arith.constant false
        %or3A_232 = arith.ori %or3A_230, %or3A_231 : i1
        %not3A_233 = arith.constant true
        %not3A_234 = arith.xori %eq3A_128, %not3A_233 : i1
        %and3A_235 = arith.andi %or3A_232, %not3A_234 : i1
        %convert_element_type3A_236 = arith.extui %and3A_235 : i1 to i32
        %cond3A_237 = arith.constant 0 : i32
        %cond3A_238 = arith.cmpi ne, %convert_element_type3A_236, %cond3A_237 : i32
        scf.if %cond3A_238 {
        } else {
        }
        %and3A_239 = arith.constant false
        %and3A_240 = arith.andi %and3A_235, %and3A_239 : i1
        %ne3A_241 = arith.cmpi ne, %add3A_131, %add3A_140 : i32
        %or3A_242 = arith.constant false
        %or3A_243 = arith.ori %or3A_242, %ne3A_241 : i1
        %or3A_244 = arith.constant false
        %or3A_245 = arith.ori %or3A_243, %or3A_244 : i1
        %not3A_246 = arith.constant true
        %not3A_247 = arith.xori %eq3A_128, %not3A_246 : i1
        %and3A_248 = arith.andi %or3A_245, %not3A_247 : i1
        %convert_element_type3A_249 = arith.extui %and3A_248 : i1 to i32
        %cond3A_250 = arith.constant 0 : i32
        %cond3A_251 = arith.cmpi ne, %convert_element_type3A_249, %cond3A_250 : i32
        scf.if %cond3A_251 {
          "tpu.trace_start"() <{level = 10 : i32, message = "ep_wait_out"}> : () -> ()
          %rem3A_274 = arith.constant 2 : i32
          %rem3A_275 = arith.remui %scan3A_125, %rem3A_274 : i32
          %mul3A_276 = arith.constant 2048 : i32
          %mul3A_277 = arith.muli %mul3A_276, %add3A_140 : i32
          %dma_wait3A_278 = arith.constant 0 : i32
          %dma_wait3A_279 = arith.constant 0 : i32
          %dma_wait3A_280 = tpu.memref_slice %run_scoped3A_8[%rem3A_275, %dma_wait3A_278, %dma_wait3A_279] : memref<2x2048x16xf32, #tpu.memory_space<vmem>> -> memref<1x2048x16xf32, #tpu.memory_space<vmem>>
          %dma_wait3A_281 = tpu.memref_squeeze %dma_wait3A_280 : memref<1x2048x16xf32, #tpu.memory_space<vmem>> -> memref<2048x16xf32, #tpu.memory_space<vmem>>
          %dma_wait3A_282 = arith.constant 0 : i32
          %dma_wait3A_283 = tpu.memref_slice %arg4[%mul3A_277, %dma_wait3A_282] : memref<5767168x16xf32, #tpu.memory_space<hbm>> -> memref<2048x16xf32, #tpu.memory_space<hbm>>
          %dma_wait3A_284 = tpu.memref_slice %run_scoped3A_9[%rem3A_275] : memref<2x!tpu.dma_semaphore, #tpu.memory_space<semaphore_mem>> -> memref<1x!tpu.dma_semaphore, #tpu.memory_space<semaphore_mem>>
          %dma_wait3A_285 = tpu.memref_squeeze %dma_wait3A_284 : memref<1x!tpu.dma_semaphore, #tpu.memory_space<semaphore_mem>> -> memref<!tpu.dma_semaphore, #tpu.memory_space<semaphore_mem>>
          %dma_wait3A_286 = arith.constant 0 : i32
          %dma_wait3A_287 = tpu.memref_slice %arg4[%mul3A_277, %dma_wait3A_286] : memref<5767168x16xf32, #tpu.memory_space<hbm>> -> memref<2048x16xf32, #tpu.memory_space<hbm>>
          %dma_wait3A_288 = arith.constant 0 : i32
          %dma_wait3A_289 = arith.constant 0 : i32
          %dma_wait3A_290 = tpu.memref_slice %run_scoped3A_8[%rem3A_275, %dma_wait3A_288, %dma_wait3A_289] : memref<2x2048x16xf32, #tpu.memory_space<vmem>> -> memref<1x2048x16xf32, #tpu.memory_space<vmem>>
          %dma_wait3A_291 = tpu.memref_squeeze %dma_wait3A_290 : memref<1x2048x16xf32, #tpu.memory_space<vmem>> -> memref<2048x16xf32, #tpu.memory_space<vmem>>
          tpu.wait_dma2 semaphore(%dma_wait3A_285 : memref<!tpu.dma_semaphore, #tpu.memory_space<semaphore_mem>>) src(%dma_wait3A_291 : memref<2048x16xf32, #tpu.memory_space<vmem>>) dst(%dma_wait3A_287 : memref<2048x16xf32, #tpu.memory_space<hbm>>)
          "tpu.trace_stop"() : () -> ()
        } else {
        }
        %and3A_252 = arith.constant true
        %and3A_253 = arith.andi %and3A_248, %and3A_252 : i1
        %add3A_254 = arith.constant 1 : i32
        %add3A_255 = arith.addi %scan3A_125, %add3A_254 : i32
        %select_n3A_256 = arith.select %and3A_253, %add3A_255, %scan3A_125 : i32
        %ne3A_257 = arith.cmpi ne, %add3A_131, %add3A_149 : i32
        %or3A_258 = arith.constant false
        %or3A_259 = arith.ori %or3A_258, %ne3A_257 : i1
        %or3A_260 = arith.constant false
        %or3A_261 = arith.ori %or3A_259, %or3A_260 : i1
        %or3A_262 = arith.ori %or3A_261, %eq3A_130 : i1
        %add3A_263 = arith.constant 1 : i32
        %add3A_264 = arith.addi %scan3A_123, %add3A_263 : i32
        %select_n3A_265 = arith.select %or3A_262, %add3A_264, %scan3A_123 : i32
        %add3A_266 = arith.constant 1 : i32
        %add3A_267 = arith.addi %scan3A_126, %add3A_266 : i32
        %select_n3A_268 = arith.constant true
        %select_n3A_269 = arith.select %select_n3A_268, %add3A_267, %scan3A_126 : i32
        %eq3A_270 = arith.constant 88 : i32
        %eq3A_271 = arith.cmpi eq, %select_n3A_269, %eq3A_270 : i32
        %select_n3A_272 = arith.constant 0 : i32
        %select_n3A_273 = arith.select %eq3A_271, %select_n3A_272, %select_n3A_269 : i32
        scf.yield %select_n3A_169, %select_n3A_265, %select_n3A_227, %select_n3A_256, %select_n3A_273 : i32, i32, i32, i32, i32
      }
      %scan3A_68 = arith.constant 88 : i32
      %sub3A = arith.constant 1 : i32
      %sub3A_69 = arith.subi %scan3A_67#4, %sub3A : i32
      %select_n3A_70 = arith.constant true
      %select_n3A_71 = arith.select %select_n3A_70, %sub3A_69, %scan3A_67#4 : i32
      %eq3A_72 = arith.constant -1 : i32
      %eq3A_73 = arith.cmpi eq, %select_n3A_71, %eq3A_72 : i32
      %select_n3A_74 = arith.constant 87 : i32
      %select_n3A_75 = arith.select %eq3A_73, %select_n3A_74, %select_n3A_71 : i32
      %add3A_76 = arith.addi %select_n3A_75, %mul3A_6 : i32
      %sub3A_77 = arith.constant 1 : i32
      %sub3A_78 = arith.subi %select_n3A_75, %sub3A_77 : i32
      %select_n3A_79 = arith.constant true
      %select_n3A_80 = arith.select %select_n3A_79, %sub3A_78, %select_n3A_75 : i32
      %eq3A_81 = arith.constant -1 : i32
      %eq3A_82 = arith.cmpi eq, %select_n3A_80, %eq3A_81 : i32
      %select_n3A_83 = arith.constant 87 : i32
      %select_n3A_84 = arith.select %eq3A_82, %select_n3A_83, %select_n3A_80 : i32
      %add3A_85 = arith.addi %select_n3A_84, %mul3A_6 : i32
      %add3A_86 = arith.constant 1 : i32
      %add3A_87 = arith.addi %select_n3A_75, %add3A_86 : i32
      %select_n3A_88 = arith.constant true
      %select_n3A_89 = arith.select %select_n3A_88, %add3A_87, %select_n3A_75 : i32
      %eq3A_90 = arith.constant 88 : i32
      %eq3A_91 = arith.cmpi eq, %select_n3A_89, %eq3A_90 : i32
      %select_n3A_92 = arith.constant 0 : i32
      %select_n3A_93 = arith.select %eq3A_91, %select_n3A_92, %select_n3A_89 : i32
      %add3A_94 = arith.addi %select_n3A_93, %mul3A_6 : i32
      %add3A_95 = arith.constant 1 : i32
      %add3A_96 = arith.addi %select_n3A_93, %add3A_95 : i32
      %select_n3A_97 = arith.constant true
      %select_n3A_98 = arith.select %select_n3A_97, %add3A_96, %select_n3A_93 : i32
      %eq3A_99 = arith.constant 88 : i32
      %eq3A_100 = arith.cmpi eq, %select_n3A_98, %eq3A_99 : i32
      %select_n3A_101 = arith.constant 0 : i32
      %select_n3A_102 = arith.select %eq3A_100, %select_n3A_101, %select_n3A_98 : i32
      %add3A_103 = arith.addi %select_n3A_102, %mul3A_6 : i32
      "tpu.trace_start"() <{level = 10 : i32, message = "ep_finalize"}> : () -> ()
      %rem3A_104 = arith.constant 2 : i32
      %rem3A_105 = arith.remui %scan3A_67#3, %rem3A_104 : i32
      %mul3A_106 = arith.constant 2048 : i32
      %mul3A_107 = arith.muli %mul3A_106, %add3A_76 : i32
      %dma_wait3A = arith.constant 0 : i32
      %dma_wait3A_108 = arith.constant 0 : i32
      %dma_wait3A_109 = tpu.memref_slice %run_scoped3A_8[%rem3A_105, %dma_wait3A, %dma_wait3A_108] : memref<2x2048x16xf32, #tpu.memory_space<vmem>> -> memref<1x2048x16xf32, #tpu.memory_space<vmem>>
      %dma_wait3A_110 = tpu.memref_squeeze %dma_wait3A_109 : memref<1x2048x16xf32, #tpu.memory_space<vmem>> -> memref<2048x16xf32, #tpu.memory_space<vmem>>
      %dma_wait3A_111 = arith.constant 0 : i32
      %dma_wait3A_112 = tpu.memref_slice %arg4[%mul3A_107, %dma_wait3A_111] : memref<5767168x16xf32, #tpu.memory_space<hbm>> -> memref<2048x16xf32, #tpu.memory_space<hbm>>
      %dma_wait3A_113 = tpu.memref_slice %run_scoped3A_9[%rem3A_105] : memref<2x!tpu.dma_semaphore, #tpu.memory_space<semaphore_mem>> -> memref<1x!tpu.dma_semaphore, #tpu.memory_space<semaphore_mem>>
      %dma_wait3A_114 = tpu.memref_squeeze %dma_wait3A_113 : memref<1x!tpu.dma_semaphore, #tpu.memory_space<semaphore_mem>> -> memref<!tpu.dma_semaphore, #tpu.memory_space<semaphore_mem>>
      %dma_wait3A_115 = arith.constant 0 : i32
      %dma_wait3A_116 = tpu.memref_slice %arg4[%mul3A_107, %dma_wait3A_115] : memref<5767168x16xf32, #tpu.memory_space<hbm>> -> memref<2048x16xf32, #tpu.memory_space<hbm>>
      %dma_wait3A_117 = arith.constant 0 : i32
      %dma_wait3A_118 = arith.constant 0 : i32
      %dma_wait3A_119 = tpu.memref_slice %run_scoped3A_8[%rem3A_105, %dma_wait3A_117, %dma_wait3A_118] : memref<2x2048x16xf32, #tpu.memory_space<vmem>> -> memref<1x2048x16xf32, #tpu.memory_space<vmem>>
      %dma_wait3A_120 = tpu.memref_squeeze %dma_wait3A_119 : memref<1x2048x16xf32, #tpu.memory_space<vmem>> -> memref<2048x16xf32, #tpu.memory_space<vmem>>
      tpu.wait_dma2 semaphore(%dma_wait3A_114 : memref<!tpu.dma_semaphore, #tpu.memory_space<semaphore_mem>>) src(%dma_wait3A_120 : memref<2048x16xf32, #tpu.memory_space<vmem>>) dst(%dma_wait3A_116 : memref<2048x16xf32, #tpu.memory_space<hbm>>)
      "tpu.trace_stop"() : () -> ()
      tpu.yield
    }) : () -> ()
    return
  }
}

module attributes {stable_mosaic.version = 14 : i64} {
  func.func @_prep_body(%arg0: i32, %arg1: memref<1x1x512xf32, #tpu.memory_space<vmem>>, %arg2: memref<1x1x512xf32, #tpu.memory_space<vmem>>, %arg3: memref<10x1xf32, #tpu.memory_space<vmem>>, %arg4: memref<10x2xi32, #tpu.memory_space<vmem>>, %arg5: memref<512x22xi32, #tpu.memory_space<vmem>>, %arg6: memref<512x40xf32, #tpu.memory_space<vmem>>) attributes {dimension_semantics = [#tpu.dimension_semantics<arbitrary>], iteration_bounds = array<i64: 512>, scalar_prefetch = 0 : i64, scratch_operands = 0 : i64, tpu.core_type = #tpu.core_type<tc>, window_params = [{transform_indices = @transform_0, window_bounds = array<i64: 1, 1, 512>}, {transform_indices = @transform_1, window_bounds = array<i64: 1, 1, 512>}, {pipeline_mode = #tpu.pipeline_mode<synchronous>, transform_indices = @transform_2, window_bounds = array<i64: 10, 1>}, {pipeline_mode = #tpu.pipeline_mode<synchronous>, transform_indices = @transform_3, window_bounds = array<i64: 10, 2>}, {transform_indices = @transform_4, window_bounds = array<i64: 512, 22>}, {transform_indices = @transform_5, window_bounds = array<i64: 512, 40>}]} {
    %get3A = arith.constant 0 : index
    %get3A_0 = arith.constant 0 : index
    %get3A_1 = arith.constant 0 : index
    %get3A_2 = vector.load %arg1[%get3A, %get3A_0, %get3A_1] : memref<1x1x512xf32, #tpu.memory_space<vmem>>, vector<1x1x512xf32>
    %get3A_3 = vector.shape_cast %get3A_2 : vector<1x1x512xf32> to vector<1x512xf32>
    %get3A_4 = arith.constant 0 : index
    %get3A_5 = arith.constant 0 : index
    %get3A_6 = arith.constant 0 : index
    %get3A_7 = vector.load %arg2[%get3A_4, %get3A_5, %get3A_6] : memref<1x1x512xf32, #tpu.memory_space<vmem>>, vector<1x1x512xf32>
    %get3A_8 = vector.shape_cast %get3A_7 : vector<1x1x512xf32> to vector<1x512xf32>
    %get3A_9 = arith.constant 0 : index
    %get3A_10 = arith.constant 0 : index
    %get3A_11 = vector.load %arg3[%get3A_9, %get3A_10] : memref<10x1xf32, #tpu.memory_space<vmem>>, vector<10x1xf32>
    %get3A_12 = arith.constant 0 : index
    %get3A_13 = arith.constant 0 : index
    %get3A_14 = vector.load %arg4[%get3A_12, %get3A_13] : memref<10x2xi32, #tpu.memory_space<vmem>>, vector<10x1xi32>
    %get3A_15 = arith.constant 0 : index
    %get3A_16 = arith.constant 1 : index
    %get3A_17 = vector.load %arg4[%get3A_15, %get3A_16] : memref<10x2xi32, #tpu.memory_space<vmem>>, vector<10x1xi32>
    %mul3A = vector.broadcast %get3A_3 : vector<1x512xf32> to vector<10x512xf32>
    %mul3A_18 = vector.broadcast %get3A_11 : vector<10x1xf32> to vector<10x512xf32>
    %mul3A_19 = arith.mulf %mul3A, %mul3A_18 : vector<10x512xf32>
    %mul3A_20 = vector.broadcast %get3A_8 : vector<1x512xf32> to vector<10x512xf32>
    %mul3A_21 = vector.broadcast %get3A_11 : vector<10x1xf32> to vector<10x512xf32>
    %mul3A_22 = arith.mulf %mul3A_20, %mul3A_21 : vector<10x512xf32>
    %floor3A = math.floor %mul3A_19 : vector<10x512xf32>
    %sub3A = arith.constant 1.000000e+00 : f32
    %sub3A_23 = vector.broadcast %sub3A : f32 to vector<10x1xf32>
    %sub3A_24 = arith.subf %get3A_11, %sub3A_23 : vector<10x1xf32>
    %jit3A = arith.constant 0.000000e+00 : f32
    %max3A = vector.broadcast %jit3A : f32 to vector<10x512xf32>
    %max3A_25 = arith.maximumf %max3A, %floor3A : vector<10x512xf32>
    %min3A = vector.broadcast %sub3A_24 : vector<10x1xf32> to vector<10x512xf32>
    %min3A_26 = arith.minimumf %min3A, %max3A_25 : vector<10x512xf32>
    %floor3A_27 = math.floor %mul3A_22 : vector<10x512xf32>
    %sub3A_28 = arith.constant 1.000000e+00 : f32
    %sub3A_29 = vector.broadcast %sub3A_28 : f32 to vector<10x1xf32>
    %sub3A_30 = arith.subf %get3A_11, %sub3A_29 : vector<10x1xf32>
    %jit3A_31 = arith.constant 0.000000e+00 : f32
    %max3A_32 = vector.broadcast %jit3A_31 : f32 to vector<10x512xf32>
    %max3A_33 = arith.maximumf %max3A_32, %floor3A_27 : vector<10x512xf32>
    %min3A_34 = vector.broadcast %sub3A_30 : vector<10x1xf32> to vector<10x512xf32>
    %min3A_35 = arith.minimumf %min3A_34, %max3A_33 : vector<10x512xf32>
    %sub3A_36 = arith.subf %mul3A_19, %min3A_26 : vector<10x512xf32>
    %sub3A_37 = arith.subf %mul3A_22, %min3A_35 : vector<10x512xf32>
    %convert_element_type3A = arith.fptosi %min3A_26 : vector<10x512xf32> to vector<10x512xi32>
    %convert_element_type3A_38 = arith.fptosi %min3A_35 : vector<10x512xf32> to vector<10x512xi32>
    %mul3A_39 = vector.broadcast %get3A_14 : vector<10x1xi32> to vector<10x512xi32>
    %mul3A_40 = arith.muli %convert_element_type3A_38, %mul3A_39 : vector<10x512xi32>
    %add3A = arith.addi %convert_element_type3A, %mul3A_40 : vector<10x512xi32>
    %add3A_41 = vector.broadcast %get3A_17 : vector<10x1xi32> to vector<10x512xi32>
    %add3A_42 = arith.addi %add3A, %add3A_41 : vector<10x512xi32>
    %add3A_43 = vector.broadcast %get3A_14 : vector<10x1xi32> to vector<10x512xi32>
    %add3A_44 = arith.addi %add3A_42, %add3A_43 : vector<10x512xi32>
    %slice3A = vector.extract_strided_slice %convert_element_type3A {offsets = [9, 0], sizes = [1, 512], strides = [1, 1]} : vector<10x512xi32> to vector<1x512xi32>
    %slice3A_45 = vector.extract_strided_slice %convert_element_type3A_38 {offsets = [9, 0], sizes = [1, 512], strides = [1, 1]} : vector<10x512xi32> to vector<1x512xi32>
    %mul3A_46 = arith.constant -1640531535 : i32
    %mul3A_47 = vector.broadcast %mul3A_46 : i32 to vector<1x512xi32>
    %mul3A_48 = arith.muli %slice3A_45, %mul3A_47 : vector<1x512xi32>
    %slice3A_49 = vector.extract_strided_slice %convert_element_type3A_38 {offsets = [9, 0], sizes = [1, 512], strides = [1, 1]} : vector<10x512xi32> to vector<1x512xi32>
    %add3A_50 = arith.constant 1 : i32
    %add3A_51 = vector.broadcast %add3A_50 : i32 to vector<1x512xi32>
    %add3A_52 = arith.addi %slice3A_49, %add3A_51 : vector<1x512xi32>
    %mul3A_53 = arith.constant -1640531535 : i32
    %mul3A_54 = vector.broadcast %mul3A_53 : i32 to vector<1x512xi32>
    %mul3A_55 = arith.muli %add3A_52, %mul3A_54 : vector<1x512xi32>
    %xor3A = arith.xori %slice3A, %mul3A_48 : vector<1x512xi32>
    %and3A = arith.constant 1048575 : i32
    %and3A_56 = vector.broadcast %and3A : i32 to vector<1x512xi32>
    %and3A_57 = arith.andi %xor3A, %and3A_56 : vector<1x512xi32>
    %add3A_58 = arith.constant 692533 : i32
    %add3A_59 = vector.broadcast %add3A_58 : i32 to vector<1x512xi32>
    %add3A_60 = arith.addi %and3A_57, %add3A_59 : vector<1x512xi32>
    %add3A_61 = arith.constant 1 : i32
    %add3A_62 = vector.broadcast %add3A_61 : i32 to vector<1x512xi32>
    %add3A_63 = arith.addi %slice3A, %add3A_62 : vector<1x512xi32>
    %xor3A_64 = arith.xori %add3A_63, %mul3A_48 : vector<1x512xi32>
    %and3A_65 = arith.constant 1048575 : i32
    %and3A_66 = vector.broadcast %and3A_65 : i32 to vector<1x512xi32>
    %and3A_67 = arith.andi %xor3A_64, %and3A_66 : vector<1x512xi32>
    %add3A_68 = arith.constant 692533 : i32
    %add3A_69 = vector.broadcast %add3A_68 : i32 to vector<1x512xi32>
    %add3A_70 = arith.addi %and3A_67, %add3A_69 : vector<1x512xi32>
    %xor3A_71 = arith.xori %slice3A, %mul3A_55 : vector<1x512xi32>
    %and3A_72 = arith.constant 1048575 : i32
    %and3A_73 = vector.broadcast %and3A_72 : i32 to vector<1x512xi32>
    %and3A_74 = arith.andi %xor3A_71, %and3A_73 : vector<1x512xi32>
    %add3A_75 = arith.constant 692533 : i32
    %add3A_76 = vector.broadcast %add3A_75 : i32 to vector<1x512xi32>
    %add3A_77 = arith.addi %and3A_74, %add3A_76 : vector<1x512xi32>
    %add3A_78 = arith.constant 1 : i32
    %add3A_79 = vector.broadcast %add3A_78 : i32 to vector<1x512xi32>
    %add3A_80 = arith.addi %slice3A, %add3A_79 : vector<1x512xi32>
    %xor3A_81 = arith.xori %add3A_80, %mul3A_55 : vector<1x512xi32>
    %and3A_82 = arith.constant 1048575 : i32
    %and3A_83 = vector.broadcast %and3A_82 : i32 to vector<1x512xi32>
    %and3A_84 = arith.andi %xor3A_81, %and3A_83 : vector<1x512xi32>
    %add3A_85 = arith.constant 692533 : i32
    %add3A_86 = vector.broadcast %add3A_85 : i32 to vector<1x512xi32>
    %add3A_87 = arith.addi %and3A_84, %add3A_86 : vector<1x512xi32>
    %slice3A_88 = vector.extract_strided_slice %add3A_42 {offsets = [0, 0], sizes = [9, 512], strides = [1, 1]} : vector<10x512xi32> to vector<9x512xi32>
    %slice3A_89 = vector.extract_strided_slice %add3A_44 {offsets = [0, 0], sizes = [9, 512], strides = [1, 1]} : vector<10x512xi32> to vector<9x512xi32>
    %concatenate3A = tpu.concatenate %slice3A_88, %slice3A_89, %add3A_60, %add3A_70, %add3A_77, %add3A_87 in 0 : vector<9x512xi32>, vector<9x512xi32>, vector<1x512xi32>, vector<1x512xi32>, vector<1x512xi32>, vector<1x512xi32> -> vector<22x512xi32>
    %transpose3A = tpu.transpose %concatenate3A, [1, 0] : vector<22x512xi32> -> vector<512x22xi32>
    %swap3A = arith.constant 0 : index
    %swap3A_90 = arith.constant 0 : index
    %swap3A_91 = vector.load %arg5[%swap3A, %swap3A_90] : memref<512x22xi32, #tpu.memory_space<vmem>>, vector<512x22xi32>
    tpu.vector_store %arg5[%swap3A, %swap3A_90], %transpose3A {strides = array<i32>} : memref<512x22xi32, #tpu.memory_space<vmem>>, vector<512x22xi32>,
    %sub3A_92 = arith.constant 1.000000e+00 : f32
    %sub3A_93 = vector.broadcast %sub3A_92 : f32 to vector<10x512xf32>
    %sub3A_94 = arith.subf %sub3A_93, %sub3A_36 : vector<10x512xf32>
    %sub3A_95 = arith.constant 1.000000e+00 : f32
    %sub3A_96 = vector.broadcast %sub3A_95 : f32 to vector<10x512xf32>
    %sub3A_97 = arith.subf %sub3A_96, %sub3A_37 : vector<10x512xf32>
    %mul3A_98 = arith.mulf %sub3A_94, %sub3A_97 : vector<10x512xf32>
    %mul3A_99 = arith.mulf %sub3A_36, %sub3A_97 : vector<10x512xf32>
    %mul3A_100 = arith.mulf %sub3A_94, %sub3A_37 : vector<10x512xf32>
    %mul3A_101 = arith.mulf %sub3A_36, %sub3A_37 : vector<10x512xf32>
    %slice3A_102 = vector.extract_strided_slice %mul3A_98 {offsets = [0, 0], sizes = [9, 512], strides = [1, 1]} : vector<10x512xf32> to vector<9x512xf32>
    %slice3A_103 = vector.extract_strided_slice %mul3A_99 {offsets = [0, 0], sizes = [9, 512], strides = [1, 1]} : vector<10x512xf32> to vector<9x512xf32>
    %slice3A_104 = vector.extract_strided_slice %mul3A_100 {offsets = [0, 0], sizes = [9, 512], strides = [1, 1]} : vector<10x512xf32> to vector<9x512xf32>
    %slice3A_105 = vector.extract_strided_slice %mul3A_101 {offsets = [0, 0], sizes = [9, 512], strides = [1, 1]} : vector<10x512xf32> to vector<9x512xf32>
    %slice3A_106 = vector.extract_strided_slice %mul3A_98 {offsets = [9, 0], sizes = [1, 512], strides = [1, 1]} : vector<10x512xf32> to vector<1x512xf32>
    %slice3A_107 = vector.extract_strided_slice %mul3A_99 {offsets = [9, 0], sizes = [1, 512], strides = [1, 1]} : vector<10x512xf32> to vector<1x512xf32>
    %slice3A_108 = vector.extract_strided_slice %mul3A_100 {offsets = [9, 0], sizes = [1, 512], strides = [1, 1]} : vector<10x512xf32> to vector<1x512xf32>
    %slice3A_109 = vector.extract_strided_slice %mul3A_101 {offsets = [9, 0], sizes = [1, 512], strides = [1, 1]} : vector<10x512xf32> to vector<1x512xf32>
    %concatenate3A_110 = tpu.concatenate %slice3A_102, %slice3A_103, %slice3A_104, %slice3A_105, %slice3A_106, %slice3A_107, %slice3A_108, %slice3A_109 in 0 : vector<9x512xf32>, vector<9x512xf32>, vector<9x512xf32>, vector<9x512xf32>, vector<1x512xf32>, vector<1x512xf32>, vector<1x512xf32>, vector<1x512xf32> -> vector<40x512xf32>
    %transpose3A_111 = tpu.transpose %concatenate3A_110, [1, 0] : vector<40x512xf32> -> vector<512x40xf32>
    %swap3A_112 = arith.constant 0 : index
    %swap3A_113 = arith.constant 0 : index
    %swap3A_114 = vector.load %arg6[%swap3A_112, %swap3A_113] : memref<512x40xf32, #tpu.memory_space<vmem>>, vector<512x40xf32>
    tpu.vector_store %arg6[%swap3A_112, %swap3A_113], %transpose3A_111 {strides = array<i32>} : memref<512x40xf32, #tpu.memory_space<vmem>>, vector<512x40xf32>,
    return
  }
  func.func @transform_0(%arg0: i32) -> (i32, i32, i32) {
    %c0_i32 = arith.constant 0 : i32
    %c0_i32_0 = arith.constant 0 : i32
    %c0_i32_1 = arith.constant 0 : i32
    return %arg0, %c0_i32, %c0_i32_0 : i32, i32, i32
  }
  func.func @transform_1(%arg0: i32) -> (i32, i32, i32) {
    %c0_i32 = arith.constant 0 : i32
    %c0_i32_0 = arith.constant 0 : i32
    %c0_i32_1 = arith.constant 0 : i32
    return %arg0, %c0_i32, %c0_i32_0 : i32, i32, i32
  }
  func.func @transform_2(%arg0: i32) -> (i32, i32) {
    %c0_i32 = arith.constant 0 : i32
    %c0_i32_0 = arith.constant 0 : i32
    %c0_i32_1 = arith.constant 0 : i32
    return %c0_i32, %c0_i32_0 : i32, i32
  }
  func.func @transform_3(%arg0: i32) -> (i32, i32) {
    %c0_i32 = arith.constant 0 : i32
    %c0_i32_0 = arith.constant 0 : i32
    %c0_i32_1 = arith.constant 0 : i32
    return %c0_i32, %c0_i32_0 : i32, i32
  }
  func.func @transform_4(%arg0: i32) -> (i32, i32) {
    %c0_i32 = arith.constant 0 : i32
    %c0_i32_0 = arith.constant 0 : i32
    return %arg0, %c0_i32 : i32, i32
  }
  func.func @transform_5(%arg0: i32) -> (i32, i32) {
    %c0_i32 = arith.constant 0 : i32
    %c0_i32_0 = arith.constant 0 : i32
    return %arg0, %c0_i32 : i32, i32
  }
}

module attributes {stable_mosaic.version = 14 : i64} {
  func.func @_mlp_body(%arg0: i32, %arg1: memref<1024x352xf32, #tpu.memory_space<vmem>>, %arg2: memref<1024x40xf32, #tpu.memory_space<vmem>>, %arg3: memref<40x352xf32, #tpu.memory_space<vmem>>, %arg4: memref<352x64xf32, #tpu.memory_space<vmem>>, %arg5: memref<1x64xf32, #tpu.memory_space<vmem>>, %arg6: memref<64x128xf32, #tpu.memory_space<vmem>>, %arg7: memref<1x128xf32, #tpu.memory_space<vmem>>, %arg8: memref<1024x128xf32, #tpu.memory_space<vmem>>) attributes {dimension_semantics = [#tpu.dimension_semantics<arbitrary>], iteration_bounds = array<i64: 256>, scalar_prefetch = 0 : i64, scratch_operands = 0 : i64, tpu.core_type = #tpu.core_type<tc>, window_params = [{transform_indices = @transform_0, window_bounds = array<i64: 1024, 352>}, {transform_indices = @transform_1, window_bounds = array<i64: 1024, 40>}, {pipeline_mode = #tpu.pipeline_mode<synchronous>, transform_indices = @transform_2, window_bounds = array<i64: 40, 352>}, {pipeline_mode = #tpu.pipeline_mode<synchronous>, transform_indices = @transform_3, window_bounds = array<i64: 352, 64>}, {pipeline_mode = #tpu.pipeline_mode<synchronous>, transform_indices = @transform_4, window_bounds = array<i64: 1, 64>}, {pipeline_mode = #tpu.pipeline_mode<synchronous>, transform_indices = @transform_5, window_bounds = array<i64: 64, 128>}, {pipeline_mode = #tpu.pipeline_mode<synchronous>, transform_indices = @transform_6, window_bounds = array<i64: 1, 128>}, {transform_indices = @transform_7, window_bounds = array<i64: 1024, 128>}]} {
    %get3A = arith.constant 0 : index
    %get3A_0 = arith.constant 0 : index
    %get3A_1 = vector.load %arg2[%get3A, %get3A_0] : memref<1024x40xf32, #tpu.memory_space<vmem>>, vector<1024x40xf32>
    %get3A_2 = arith.constant 0 : index
    %get3A_3 = arith.constant 0 : index
    %get3A_4 = vector.load %arg3[%get3A_2, %get3A_3] : memref<40x352xf32, #tpu.memory_space<vmem>>, vector<40x352xf32>
    %dot_general3A = arith.constant dense<0.000000e+00> : vector<1024x352xf32>
    %dot_general3A_5 = tpu.matmul %get3A_1, %get3A_4, %dot_general3A {dimension_numbers = #tpu.dot_dimension_numbers<[1], [0], [0], [1], [0, 0, 1, 1], [], []>, transpose_lhs_hint = false} : vector<1024x40xf32>, vector<40x352xf32>, vector<1024x352xf32> -> vector<1024x352xf32>
    %get3A_6 = arith.constant 0 : index
    %get3A_7 = arith.constant 0 : index
    %get3A_8 = vector.load %arg1[%get3A_6, %get3A_7] : memref<1024x352xf32, #tpu.memory_space<vmem>>, vector<1024x352xf32>
    %mul3A = arith.mulf %get3A_8, %dot_general3A_5 : vector<1024x352xf32>
    %get3A_9 = arith.constant 0 : index
    %get3A_10 = arith.constant 0 : index
    %get3A_11 = vector.load %arg4[%get3A_9, %get3A_10] : memref<352x64xf32, #tpu.memory_space<vmem>>, vector<352x64xf32>
    %dot_general3A_12 = arith.constant dense<0.000000e+00> : vector<1024x64xf32>
    %dot_general3A_13 = tpu.matmul %mul3A, %get3A_11, %dot_general3A_12 {dimension_numbers = #tpu.dot_dimension_numbers<[1], [0], [0], [1], [0, 0, 1, 1], [], []>, transpose_lhs_hint = false} : vector<1024x352xf32>, vector<352x64xf32>, vector<1024x64xf32> -> vector<1024x64xf32>
    %get3A_14 = arith.constant 0 : index
    %get3A_15 = arith.constant 0 : index
    %get3A_16 = vector.load %arg5[%get3A_14, %get3A_15] : memref<1x64xf32, #tpu.memory_space<vmem>>, vector<1x64xf32>
    %add3A = vector.broadcast %get3A_16 : vector<1x64xf32> to vector<1024x64xf32>
    %add3A_17 = arith.addf %dot_general3A_13, %add3A : vector<1024x64xf32>
    %max3A = arith.constant 0.000000e+00 : f32
    %max3A_18 = vector.broadcast %max3A : f32 to vector<1024x64xf32>
    %max3A_19 = arith.maximumf %add3A_17, %max3A_18 : vector<1024x64xf32>
    %get3A_20 = arith.constant 0 : index
    %get3A_21 = arith.constant 0 : index
    %get3A_22 = vector.load %arg6[%get3A_20, %get3A_21] : memref<64x128xf32, #tpu.memory_space<vmem>>, vector<64x128xf32>
    %dot_general3A_23 = arith.constant dense<0.000000e+00> : vector<1024x128xf32>
    %dot_general3A_24 = tpu.matmul %max3A_19, %get3A_22, %dot_general3A_23 {dimension_numbers = #tpu.dot_dimension_numbers<[1], [0], [0], [1], [0, 0, 1, 1], [], []>, transpose_lhs_hint = false} : vector<1024x64xf32>, vector<64x128xf32>, vector<1024x128xf32> -> vector<1024x128xf32>
    %get3A_25 = arith.constant 0 : index
    %get3A_26 = arith.constant 0 : index
    %get3A_27 = vector.load %arg7[%get3A_25, %get3A_26] : memref<1x128xf32, #tpu.memory_space<vmem>>, vector<1x128xf32>
    %add3A_28 = vector.broadcast %get3A_27 : vector<1x128xf32> to vector<1024x128xf32>
    %add3A_29 = arith.addf %dot_general3A_24, %add3A_28 : vector<1024x128xf32>
    %swap3A = arith.constant 0 : index
    %swap3A_30 = arith.constant 0 : index
    %swap3A_31 = vector.load %arg8[%swap3A, %swap3A_30] : memref<1024x128xf32, #tpu.memory_space<vmem>>, vector<1024x128xf32>
    tpu.vector_store %arg8[%swap3A, %swap3A_30], %add3A_29 {strides = array<i32>} : memref<1024x128xf32, #tpu.memory_space<vmem>>, vector<1024x128xf32>,
    return
  }
  func.func @transform_0(%arg0: i32) -> (i32, i32) {
    %c0_i32 = arith.constant 0 : i32
    %c0_i32_0 = arith.constant 0 : i32
    return %arg0, %c0_i32 : i32, i32
  }
  func.func @transform_1(%arg0: i32) -> (i32, i32) {
    %c0_i32 = arith.constant 0 : i32
    %c0_i32_0 = arith.constant 0 : i32
    return %arg0, %c0_i32 : i32, i32
  }
  func.func @transform_2(%arg0: i32) -> (i32, i32) {
    %c0_i32 = arith.constant 0 : i32
    %c0_i32_0 = arith.constant 0 : i32
    %c0_i32_1 = arith.constant 0 : i32
    return %c0_i32, %c0_i32_0 : i32, i32
  }
  func.func @transform_3(%arg0: i32) -> (i32, i32) {
    %c0_i32 = arith.constant 0 : i32
    %c0_i32_0 = arith.constant 0 : i32
    %c0_i32_1 = arith.constant 0 : i32
    return %c0_i32, %c0_i32_0 : i32, i32
  }
  func.func @transform_4(%arg0: i32) -> (i32, i32) {
    %c0_i32 = arith.constant 0 : i32
    %c0_i32_0 = arith.constant 0 : i32
    %c0_i32_1 = arith.constant 0 : i32
    return %c0_i32, %c0_i32_0 : i32, i32
  }
  func.func @transform_5(%arg0: i32) -> (i32, i32) {
    %c0_i32 = arith.constant 0 : i32
    %c0_i32_0 = arith.constant 0 : i32
    %c0_i32_1 = arith.constant 0 : i32
    return %c0_i32, %c0_i32_0 : i32, i32
  }
  func.func @transform_6(%arg0: i32) -> (i32, i32) {
    %c0_i32 = arith.constant 0 : i32
    %c0_i32_0 = arith.constant 0 : i32
    %c0_i32_1 = arith.constant 0 : i32
    return %c0_i32, %c0_i32_0 : i32, i32
  }
  func.func @transform_7(%arg0: i32) -> (i32, i32) {
    %c0_i32 = arith.constant 0 : i32
    %c0_i32_0 = arith.constant 0 : i32
    return %arg0, %c0_i32 : i32, i32
  }
}

</mosaic_0001>

<sc_bundles>
// kernel: kernel.5.cloned.1.call-start
scs
__scs_entry_jumppad:
0x0: {  	(pc) =	sbr.rel $0x88, $3  }
0x1: {  	(tag) =	ssettag $0x0;
	lr =	simm.s32 $0x1  }
0x2: {  	[smem:$0x3F92] =	sst lr;
	_ =	strace $0xD0000000  }
0x3: {  	_ = 	snop  }
0x4: {  	_ = 	snop  }
0x5: {  	_ = 	snop  }
0x6: {  	_ = 	snop  }
0x7: {  	_ = 	snop  }
__scs_overlays_trampoline_lowered:
0x8: {  	[smem:$0x3FA1] =	sst s0  }
0x9: {  	[smem:$0x3FA2] =	sst s1  }
0xa: {  	[smem:$0x3FA3] =	sst s2  }
0xb: {  	[smem:$0x3FA4] =	sst s3  }
0xc: {  	[smem:$0x3FA5] =	sst s4  }
0xd: {  	[smem:$0x3FA6] =	sst s5  }
0xe: {  	[smem:$0x3FA7] =	sst s6  }
0xf: {  	[smem:$0x3FA8] =	sst s7  }
0x10: {  	[smem:$0x3FA9] =	sst s8  }
0x11: {  	[smem:$0x3FAA] =	sst s9;
	s0 =	simm.s32 @!p0 $0x0  }
0x12: {  	s1 =	sld [smem:$0x3F90];
	s0 =	simm.s32 @p0 $0x1  }
0x13: {  	[smem:$0x3FAB] =	sst s0;
	s0 =	simm.s32 @!p1 $0x0  }
0x14: {  	s2 =	sld [smem:$0x3F8F];
	s0 =	simm.s32 @p1 $0x1  }
0x15: {  	[smem:$0x3FAC] =	sst s0;
	s0 =	simm.s32 @!p2 $0x0  }
0x16: {  	s3 =	sld [smem:$0x3FDB];
	s0 =	simm.s32 @p2 $0x1  }
0x17: {  	s4 =	simm.s32 $0x1BF5;
	[smem:$0x3FAE] =	sst s0  }
0x18: {  	s0 =	sld [smem:$0x3F91];
	_ =	swait.ge [sflag:s4], $0x0  }
0x19: {  	s7 =	sld [smem:$0x3F92]  }
0x1a: {  	s8 =	sadd.s32 $0xFFFFE003, lr  }
0x1b: {  	s9 =	sadd.s32 $0xFFFFFEF7, lr;
	s5 =	simm.s32 $0xFFFFFFFF;
	p2 =	slt.u32 s8, $0xFFFFF086  }
0x1c: {  	p1 =	slt.u32 s9, $0xF7A;
	s5 =	simm.s32 @!p2 $0x0  }
0x1d: {  	s5 =	simm.s32 @p1 $0x1;
	p0 =	seq.s32 s7, s2  }
0x1e: {  	s7 =	smul.u32 @!p0 $0xF7A, s2;
	p2 =	seq.s32 @!p0 s5, $0x0  }
0x1f: {  	s9 =	smul.u32 $0xF7A, s1;
	s8 =	simm.s32 @!p0 $0x1BF5;
	p2 =	por !p2, p0  }
0x20: {  	[sflag:s8] =	ssyncset.s32 @!p0 $0xFFFFF086;
	s6 =	sadd.s32 @!p0 s3, s7;
	s7 =	simm.s32 @!p0 $0x108  }
0x21: {  	s3 =	sadd.s32 s3, s9;
	s6 =	sadd.s32 @!p0 $0x88, s6;
	s7 =	simm.s32 @p2 $0x1082  }
0x22: {  	[simem:s7], [sflag:s8] =	dma.local @!p0 [hbm:s6], $0xF7A  }
0x23: {  	s9 =	sor.u32 $0xD0000000, s2;
	s6 =	simm.s32 $0x108;
	_ =	swait.ge @!p0 [sflag:s8], $0x0  }
0x24: {  	s3 =	sadd.s32 $0x88, s3;
	s6 =	simm.s32 @!p1 $0x1082;
	[sflag:s4] =	ssyncset.s32 $0xFFFFF086  }
0x25: {  	[simem:s6], [sflag:s4] =	dma.local [hbm:s3], $0xF7A  }
0x26: {  	[smem:$0x3F92] =	sst s1;
	(tag) =	ssettag s2;
	_ =	strace s9  }
0x27: {  	s1 =	sld [smem:$0x3FA2]  }
0x28: {  	s2 =	sld [smem:$0x3FA3]  }
0x29: {  	s4 =	sld [smem:$0x3FA5]  }
0x2a: {  	p0 =	seq.s32 s5, $0x0;
	s5 =	sld [smem:$0x3FA6]  }
0x2b: {  	s6 =	sld [smem:$0x3FA7]  }
0x2c: {  	s7 =	sld [smem:$0x3FA8]  }
0x2d: {  	s3 =	simm.s32 $0x108;
	s8 =	sld [smem:$0x3FA9]  }
0x2e: {  	s3 =	simm.s32 @!p0 $0x1082;
	s9 =	sld [smem:$0x3FAA]  }
0x2f: {  	lr =	sadd.s32 s0, s3;
	s0 =	sld [smem:$0x3FA1]  }
0x30: {  	s3 =	sld [smem:$0x3FA4]  }
0x31: {  	[smem:$0x3FAD] =	sst s10  }
0x32: {  	s10 =	sld [smem:$0x3FAB];
	_ =	sdelay $0x3  }
0x33: {  	p0 =	seq.s32 s10, $0x1;
	s10 =	sld [smem:$0x3FAD];
	_ =	sdelay $0x3  }
0x34: {  	[smem:$0x3FAD] =	sst s10  }
0x35: {  	s10 =	sld [smem:$0x3FAC];
	_ =	sdelay $0x3  }
0x36: {  	p1 =	seq.s32 s10, $0x1;
	s10 =	sld [smem:$0x3FAD];
	_ =	sdelay $0x3  }
0x37: {  	[smem:$0x3FAD] =	sst s10  }
0x38: {  	s10 =	sld [smem:$0x3FAE]  }
0x39: {  	_ = 	snop;
	(pc) =	sbr.ind lr, $3  }
0x3a: {  	_ = 	snop  }
0x3b: {  	_ = 	snop  }
0x3c: {  	p2 =	seq.s32 s10, $0x1;
	s10 =	sld [smem:$0x3FAD]  }
0x3d: {  	_ =	shalt  }
0x3e: {  	_ =	shalt  }
0x3f: {  	_ =	shalt  }
0x40: {  	_ =	shalt  }
0x41: {  	_ =	shalt  }
0x42: {  	_ =	shalt  }
0x43: {  	_ =	shalt  }
0x44: {  	_ =	shalt  }
0x45: {  	_ =	shalt  }
0x46: {  	_ =	shalt  }
0x47: {  	_ =	shalt  }
0x48: {  	_ =	shalt  }
0x49: {  	_ =	shalt  }
0x4a: {  	_ =	shalt  }
0x4b: {  	_ =	shalt  }
0x4c: {  	_ =	shalt  }
0x4d: {  	_ =	shalt  }
0x4e: {  	_ =	shalt  }
0x4f: {  	_ =	shalt  }
0x50: {  	_ =	shalt  }
0x51: {  	_ =	shalt  }
0x52: {  	_ =	shalt  }
0x53: {  	_ =	shalt  }
0x54: {  	_ =	shalt  }
0x55: {  	_ =	shalt  }
0x56: {  	_ =	shalt  }
0x57: {  	_ =	shalt  }
0x58: {  	_ =	shalt  }
0x59: {  	_ =	shalt  }
0x5a: {  	_ =	shalt  }
0x5b: {  	_ =	shalt  }
0x5c: {  	_ =	shalt  }
0x5d: {  	_ =	shalt  }
0x5e: {  	_ =	shalt  }
0x5f: {  	_ =	shalt  }
0x60: {  	_ =	shalt  }
0x61: {  	_ =	shalt  }
0x62: {  	_ =	shalt  }
0x63: {  	_ =	shalt  }
0x64: {  	_ =	shalt  }
0x65: {  	_ =	shalt  }
0x66: {  	_ =	shalt  }
0x67: {  	_ =	shalt  }
0x68: {  	_ =	shalt  }
0x69: {  	_ =	shalt  }
0x6a: {  	_ =	shalt  }
0x6b: {  	_ =	shalt  }
0x6c: {  	_ =	shalt  }
0x6d: {  	_ =	shalt  }
0x6e: {  	_ =	shalt  }
0x6f: {  	_ =	shalt  }
0x70: {  	_ =	shalt  }
0x71: {  	_ =	shalt  }
0x72: {  	_ =	shalt  }
0x73: {  	_ =	shalt  }
0x74: {  	_ =	shalt  }
0x75: {  	_ =	shalt  }
0x76: {  	_ =	shalt  }
0x77: {  	_ =	shalt  }
0x78: {  	_ =	shalt  }
0x79: {  	_ =	shalt  }
0x7a: {  	_ =	shalt  }
0x7b: {  	_ =	shalt  }
0x7c: {  	_ =	shalt  }
0x7d: {  	_ =	shalt  }
0x7e: {  	_ =	shalt  }
0x7f: {  	_ =	shalt  }
0x80: {  	_ =	shalt  }
0x81: {  	_ =	shalt  }
0x82: {  	_ =	shalt  }
0x83: {  	_ =	shalt  }
0x84: {  	_ =	shalt  }
0x85: {  	_ =	shalt  }
0x86: {  	_ =	shalt  }
0x87: {  	_ =	shalt  }
.Lfunc_end0:
.L_simem_size_0:
called_computation.1_lowered:
.L_overlay_start_0:
0x88: {  	s2 =	sld [smem:$0x3FD9]  }
0x89: {  	s3 =	sld [smem:$0x3FFE];
	_ =	sdelay $0x1  }
0x8a: {  	s1 =	srdreg.scid  }
0x8b: {  	s0 =	sand.u32 $0x1, s1  }
0x8c: {  	s17 =	sshll.u32 s0, $0xA;
	s2 =	sadd.s32 s3, s2  }
0x8d: {  	s2 =	sadd.s32 s2, s17  }
0x8e: {  	[smem:$0x3FB9] =	sst s2  }
0x8f: {  	_ = 	snop  }
0x90: {  	s2 =	sld [smem:$0x3FD0];
	(tm) =	ssettm $0x1  }
0x91: {  	s18 =	sld [smem:$0x3FFB];
	_ =	sdelay $0x3  }
0x92: {  	_ =	strace s18  }
0x93: {  	s3 =	sld [smem:$0x3FFC];
	_ =	sdelay $0x3  }
0x94: {  	_ =	strace s3  }
0x95: {  	s3 =	sld [smem:$0x3FFD];
	_ =	sdelay $0x3  }
0x96: {  	_ =	strace s3  }
0x97: {  	_ =	strace $0x8FFFFFFF  }
0x98: {  	s19 =	sld [smem:$0x3FDB];
	_ =	sdelay $0x1  }
0x99: {  	s4 =	simm.s32 $_scs_section_size  }
0x9a: {  	s5 =	simm.s32 $_size__tile_overlayer_lowered;
	s6 =	simm.s32 $_tile_overlayer_lowered  }
0x9b: {  	s22 =	simm.s32 $0x1BFF;
	s21 =	sshll.u32 s6, $0x1;
	s3 =	sadd.s32 s4, s19  }
0x9c: {  	s7 =	simm.s32 $0x0;
	s20 =	sshll.u32 s5, $0x1;
	s5 =	sadd.s32 s21, s3  }
0x9d: {  	[timem:s7], [sflag:s22] =	dma.local [hbm:s5], s20  }
0x9e: {  	_ =	swait.ge [sflag:s22], s20  }
0x9f: {  	s4 =	ssub.s32 $0x0, s20;
	[sflag:s22] =	ssyncset.done $0x0  }
0xa0: {  	[sflag:s22] =	ssyncadd.s32 s4;
	_ =	sdelay $0x1  }
0xa1: {  	s23 =	simm.s32 $0x1B8B  }
0xa2: {  	_ =	swait.ge [sflag:s23], $0x1  }
0xa3: {  	[sflag:s23] =	ssyncset.done $0x0  }
0xa4: {  	s25 =	simm.s32 $0x1B8E;
	s24 =	sld [smem:$0x3FFE];
	[sflag:s23] =	ssyncadd.s32 $0xFFFFFFFF  }
0xa5: {  	s26 =	simm.s32 $execute0_lowered;
	[smem:$0x3FD2] =	sst s25  }
0xa6: {  	s5 =	sshll.u32 s26, $0x1;
	_ =	strace $0x80000049;
	[dreg:$0x1] =	wrdreg $0xFFFFFFFF  }
0xa7: {  	s28 =	simm.s32 $_size_execute0_lowered;
	s3 =	sadd.s32 s3, s5;
	[dreg:$0x0] =	wrdreg $0x0  }
0xa8: {  	s5 =	sshll.u32 s28, $0x1;
	[dreg:$0x2] =	wrdreg s3  }
0xa9: {  	[dreg:$0x3] =	wrdreg s5  }
0xaa: {  	[dreg:$0x4] =	wrdreg $0xC0  }
0xab: {  	_ =	task [dreg:s7], $0x5FFFF  }
0xac: {  	[dreg:$0x1] =	wrdreg $0xFFFFFFFF  }
0xad: {  	[dreg:$0x0] =	wrdreg $0x60  }
0xae: {  	[dreg:$0x2] =	wrdreg s2  }
0xaf: {  	[dreg:$0x3] =	wrdreg s24  }
0xb0: {  	[dreg:$0x4] =	wrdreg $0x9  }
0xb1: {  	_ =	task.clear_ibuf [dreg:s7], $0x5FFFF;
	_ =	strace $0x90000049  }
0xb2: {  	s29 =	simm.s32 $0x9;
	_ =	strace $0x80000052  }
0xb3: {  	_ =	swait.ge [sflag:s29], $0x1  }
0xb4: {  	[sflag:s29] =	ssyncadd.s32 $0xFFFFFFFF  }
0xb5: {  	_ =	strace $0x90000052  }
0xb6: {  	_ =	sfence  }
0xb7: {  	s30 =	sld [smem:$0x0];
	_ =	sdelay $0x2  }
0xb8: {  	s31 =	sshll.u32 s1, $0xD;
	s1 =	sshrl.u32 s1, $0x2  }
0xb9: {  	s3 =	sand.u32 $0x4000, s31;
	s1 =	sadd.s32 s1, s30  }
0xba: {  	s0 =	sor.u32 s3, s0;
	s1 =	sshll.u32 s1, $0x11  }
0xbb: {  	s0 =	sor.u32 s1, s0  }
0xbc: {  	s0 =	sadd.s32 $0x8F2B, s0  }
0xbd: {  	[sflag:s0] =	ssyncadd.remote.s32 $0x1  }
0xbe: {  	_ =	sfence.sel $0xFFFF  }
0xbf: {  	[dreg:$0x0] =	wrdreg $0xFFFFFFFF;
	(pc) =	sbr.abs _section_cstart, $3  }
0xc0: {  	[dreg:$0x1] =	wrdreg $0xFFFFFFFF  }
0xc1: {  	_ =	task.clear_ibuf [dreg:s7], $0x2FFFF;
	_ =	strace $0x9FFFFFFF  }
0xc2: {  	(tm) =	ssettm $0x7FFFFFFF  }
0xc3: {  	_ =	shalt  }
tec
execute0_lowered:
.L_overlay_start_1:
0x0: {  	(tag) =	ssettag $0x1  }
0x1: {  	s0 =	rddreg [dreg:$0x0]  }
0x2: {  	s3 =	rddreg [dreg:$0x1];
	s1 =	srdreg.scid;
	s2 =	simm.s32 $0x0  }
0x3: {  	s31 =	simm.s32 $0x800;
	s9 =	simm.s32 $0x4;
	[dreg:$0x3] =	wrdreg s0  }
0x4: {  	s10 =	simm.s32 $0x0;
	s0 =	rddreg [dreg:$0x2];
	s4 =	sand.u32 $0x1, s1  }
0x5: {  	[smem:$0x7FF] =	sst s2;
	s1 =	stileid.u32;
	s6 =	sadd.s32 $0x5E00, s3  }
0x6: {  	s3 =	sadd.s32 $0x21E9600, s3;
	s5 =	sshll.u32 s4, $0x4;
	_ =	strace $0x8000004A  }
0x7: {  	s4 =	ssub.s32 $0x2, s4;
	[dreg:$0x5] =	wrdreg s6;
	s5 =	sor.u32 s1, s5  }
0x8: {  	[dreg:$0x4] =	wrdreg s31;
	s7 =	sshrl.u32 s4, $0x1;
	s8 =	smul.u32 $0x5800, s5  }
0x9: {  	s30 =	ssub.s32 s4, s7;
	s4 =	smul.u32 $0x58, s5;
	s7 =	simm.s32 $0x1  }
0xa: {  	s6 =	smax.u32 s30, $0x1;
	s5 =	sadd.s32 s3, s8;
	s8 =	simm.s32 $0x5  }
.LBB2_1:
0xb: {  	_ =	strace $0x8000004B;
	s11 =	simm.s32 $0x1;
	p0 =	por $0x0, $0x0  }
0xc: {  	[tilespmem:s2], [sflag:$0x1] =	stream.linear.gather [hbm4b:s5+s2], $0x800, $0x200038;
	[tilespmem:$0x11000] =	vst v63  }
0xd: {  	s11 =	simm.s32 @p0 $0x0  }
0xe: {  	p4 =	por $0x1, $0x1;
	s20 =	sand.u32 $0x1, s2;
	p1 =	sne.s32 s11, $0x0  }
0xf: {  	p2 =	por $0x1, $0x1;
	s18 =	simm.s32 $0x56;
	p0 =	por !p4, !p1  }
0x10: {  	s16 =	simm.s32 $0x0;
	p5 =	por $0x0, $0x0;
	p0 =	por !p0, !p0  }
0x11: {  	s23 =	sadd.s32 $0x0, s4;
	s30 =	sadd.s32 $0x1, s20;
	s12 =	sadd.s32 @p0 s4, s11  }
0x12: {  	_ =	strace $0x9000004B;
	s13 =	sand.u32 @p0 $0x1, s7;
	s12 =	sshll.u32 @p0 s12, $0x8  }
0x13: {  	_ =	strace @p0 $0x8000004C;
	s15 =	simm.s32 @p0 $0x0;
	s12 =	sand.u32 @p0 $0x1FFFFF00, s12  }
0x14: {  	s14 =	sshll.u32 @p0 s13, $0xB;
	s13 =	sadd.s32 @p0 $0x1, s13;
	s12 =	sadd.s32 @p0 s3, s12  }
0x15: {  	[tilespmem:s14], [sflag:s13] =	stream.linear.gather @p0 [hbm4b:s12+s15], $0x800, $0x200038;
	[tilespmem:$0x11000] =	vst v63  }
0x16: {  	p3 =	por p2, p2;
	s21 =	sshll.u32 s20, $0xF;
	_ =	strace @p0 $0x9000004C  }
0x17: {  	s16 =	sand.u32 $0x800, s16;
	p2 =	por p5, p5;
	_ =	strace $0x8000004D  }
0x18: {  	s17 =	sadd.s32 $0x1, s11;
	s22 =	sor.u32 $0x1000, s21;
	_ =	swait.ge [sflag:s30], $0x800  }
0x19: {  	s21 =	simm.s32 $0x1;
	p6 =	por p1, p1;
	[sflag:s30] =	ssyncset.done $0x0  }
0x1a: {  	p1 =	por p3, p3;
	p4 =	por $0x1, $0x1;
	[sflag:s30] =	ssyncadd.s32 $0xFFFFF800  }
0x1b: {  	s12 =	simm.s32 $0x57;
	s15 =	sand.u32 @!p3 $0x1, s2;
	_ =	strace $0x9000004D  }
0x1c: {  	s13 =	simm.s32 $0x1;
	p3 =	seq.s32 s17, $0x58;
	_ =	strace $0x8000004E  }
0x1d: {  	s13 =	simm.s32 @!p0 $0x0;
	s17 =	simm.s32 @p3 $0x0;
	s19 =	rddreg [dreg:$0x4]  }
0x1e: {  	p0 =	por $0x0, $0x0;
	s14 =	sadd.s32 $0x1, s13;
	s31 =	rddreg [dreg:$0x3]  }
0x1f: {  	[tilespmem:s22], [sflag:$0x5] =	stream.indirect.gather [hbm4b:s31+s19], $0x10, s16, s19, $0x2000b8;
	[tilespmem:$0x11000] =	vst v63  }
0x20: {  	p3 =	sne.s32 s11, s17;
	s21 =	simm.s32 @!p0 $0x0;
	_ =	swait.ge [sflag:s8], $0x8000  }
0x21: {  	p5 =	por !p4, !p3;
	p4 =	por $0x0, $0x0;
	[sflag:s8] =	ssyncset.done $0x0  }
0x22: {  	s13 =	simm.s32 $0x0;
	p6 =	por p4, p6;
	[sflag:s8] =	ssyncadd.s32 $0xFFFF8000  }
0x23: {  	s16 =	simm.s32 $0x0;
	s19 =	simm.s32 $0x0;
	_ =	strace $0x9000004E  }
.LBB2_2:
0x24: {  	_ =	strace @p6 $0x8000004F;
	s13 =	sadd.s32 s21, s13;
	s21 =	smov.u32 s12  }
0x25: {  	s12 =	smov.u32 s18;
	s18 =	sadd.s32 $0xFFFFFFFF, s18;
	p0 =	por p3, p3  }
0x26: {  	s28 =	sshll.u32 @p6 s23, $0xC;
	s20 =	sadd.s32 @p6 $0x3, s20;
	s24 =	simm.s32 @!p0 $0x0  }
0x27: {  	s25 =	rddreg [dreg:$0x5];
	s28 =	sand.u32 @p6 $0x1FFFF000, s28;
	s24 =	simm.s32 @p0 $0x1  }
0x28: {  	s25 =	sadd.s32 @p6 s25, s28;
	s28 =	simm.s32 @p6 $0x0;
	p0 =	sne.s32 s18, $0x0  }
0x29: {  	[hbm4b:s25+s28] =	stream.linear.scatter @p6 [tilespmem:s22], [sflag:s20], $0x8000, $0x200038;
	[tilespmem:$0x11000] =	vst v63  }
0x2a: {  	s20 =	sadd.s32 @!p1 $0x3, s15;
	s15 =	simm.s32 @!p0 $0x0  }
0x2b: {  	s26 =	simm.s32 $0x1;
	[smem:$0x7FC] =	sst s24;
	s15 =	simm.s32 @p0 $0x1  }
0x2c: {  	s26 =	simm.s32 @!p6 $0x0;
	_ =	strace @p6 $0x9000004F;
	[smem:$0x7FD] =	sst s15  }
0x2d: {  	p5 =	por !p5, !p5;
	s19 =	sadd.s32 s26, s19;
	_ =	strace @!p1 $0x80000050  }
0x2e: {  	s24 =	sand.u32 @!p2 $0x1, s13;
	s22 =	sand.u32 @p5 $0x1, s14;
	_ =	swait.ge @!p1 [sflag:s20], $0x8000  }
0x2f: {  	s15 =	smov.u32 s24;
	s24 =	sadd.s32 @p5 s4, s17;
	[sflag:s20] =	ssyncset.done @!p1 $0x0  }
0x30: {  	s25 =	sshll.u32 @p5 s22, $0xB;
	s24 =	sshll.u32 @p5 s24, $0x8;
	[sflag:s20] =	ssyncadd.s32 @!p1 $0xFFFF8000  }
0x31: {  	s20 =	sadd.s32 @p5 $0x1, s22;
	s22 =	sand.u32 @p5 $0x1FFFFF00, s24;
	_ =	strace @!p1 $0x90000050  }
0x32: {  	s24 =	simm.s32 @p5 $0x0;
	s22 =	sadd.s32 @p5 s3, s22;
	_ =	strace @p5 $0x8000004C  }
0x33: {  	[tilespmem:s25], [sflag:s20] =	stream.linear.gather @p5 [hbm4b:s22+s24], $0x800, $0x200038;
	[tilespmem:$0x11000] =	vst v63  }
0x34: {  	s16 =	sadd.s32 s26, s16;
	s26 =	sand.u32 $0x1, s19;
	_ =	strace @p5 $0x9000004C  }
0x35: {  	s24 =	sadd.s32 $0x1, s26;
	_ =	strace $0x8000004D  }
0x36: {  	_ =	swait.ge [sflag:s24], $0x800  }
0x37: {  	[sflag:s24] =	ssyncset.done $0x0  }
0x38: {  	s20 =	simm.s32 $0x1;
	[sflag:s24] =	ssyncadd.s32 $0xFFFFF800  }
0x39: {  	s20 =	simm.s32 @!p5 $0x0;
	_ =	strace $0x9000004D  }
0x3a: {  	s14 =	sadd.s32 s20, s14;
	s20 =	sand.u32 $0x1, s16;
	_ =	strace $0x8000004E  }
0x3b: {  	s29 =	sshll.u32 s19, $0xB;
	s25 =	sshll.u32 s20, $0xF;
	s26 =	rddreg [dreg:$0x4]  }
0x3c: {  	s29 =	sand.u32 $0x800, s29;
	s22 =	sor.u32 $0x1000, s25;
	s30 =	rddreg [dreg:$0x3]  }
0x3d: {  	[tilespmem:s22], [sflag:$0x5] =	stream.indirect.gather [hbm4b:s30+s26], $0x10, s29, s26, $0x2000b8;
	[tilespmem:$0x11000] =	vst v63  }
0x3e: {  	_ =	swait.ge [sflag:s8], $0x8000  }
0x3f: {  	s31 =	sadd.s32 $0x1, s17;
	[sflag:s8] =	ssyncset.done $0x0  }
0x40: {  	s23 =	sadd.s32 s4, s11;
	s11 =	smov.u32 s17;
	[sflag:s8] =	ssyncadd.s32 $0xFFFF8000  }
0x41: {  	p3 =	seq.s32 s31, $0x58;
	s17 =	smov.u32 s31;
	_ =	strace $0x9000004E  }
0x42: {  	s17 =	simm.s32 @p3 $0x0;
	s31 =	sld [smem:$0x7FD]  }
0x43: {  	p6 =	sne.s32 s12, $0x1;
	p0 =	sne.s32 s21, $0x58;
	p3 =	sne.s32 s11, s17  }
0x44: {  	p5 =	por !p6, !p3;
	p6 =	seq.s32 s21, $0x1;
	s21 =	simm.s32 $0x1  }
0x45: {  	s21 =	simm.s32 @!p0 $0x0;
	p0 =	seq.s32 s31, $0x1  }
.Ltmp0:
0x46: {  	s30 =	sld [smem:$0x7FC];
	(pc) =	sbr.rel @p0 .LBB2_2-.Ltmp0, $4  }
0x47: {  	_ = 	snop  }
0x48: {  	p4 =	seq.s32 s12, $0x58  }
0x49: {  	p1 =	por p2, p2;
	p2 =	por p4, p4;
	p4 =	seq.s32 s30, $0x1  }
0x4a: {  	p6 =	por p6, p4  }
0x4b: {  	_ =	strace @p6 $0x8000004F;
	s23 =	sshll.u32 @p6 s23, $0xC  }
0x4c: {  	s18 =	rddreg [dreg:$0x5];
	s23 =	sand.u32 @p6 $0x1FFFF000, s23  }
0x4d: {  	s20 =	sadd.s32 @p6 $0x3, s20;
	s18 =	sadd.s32 @p6 s18, s23;
	s23 =	simm.s32 @p6 $0x0  }
0x4e: {  	[hbm4b:s18+s23] =	stream.linear.scatter @p6 [tilespmem:s22], [sflag:s20], $0x8000, $0x200038;
	[tilespmem:$0x11000] =	vst v63  }
0x4f: {  	p0 =	por !p5, !p5;
	_ =	strace @p6 $0x9000004F  }
0x50: {  	s15 =	sadd.s32 @!p1 $0x3, s15;
	s17 =	sadd.s32 @p0 s4, s17;
	_ =	strace @!p1 $0x80000050  }
0x51: {  	s14 =	sand.u32 @p0 $0x1, s14;
	s17 =	sshll.u32 @p0 s17, $0x8;
	_ =	swait.ge @!p1 [sflag:s15], $0x8000  }
0x52: {  	s18 =	simm.s32 $0x1;
	s20 =	sshll.u32 @p0 s14, $0xB;
	[sflag:s15] =	ssyncset.done @!p1 $0x0  }
0x53: {  	s14 =	sadd.s32 @p0 $0x1, s14;
	s18 =	simm.s32 @!p6 $0x0;
	[sflag:s15] =	ssyncadd.s32 @!p1 $0xFFFF8000  }
0x54: {  	s19 =	sadd.s32 s18, s19;
	s15 =	sand.u32 @p0 $0x1FFFFF00, s17;
	_ =	strace @!p1 $0x90000050  }
0x55: {  	s17 =	simm.s32 @p0 $0x0;
	s15 =	sadd.s32 @p0 s3, s15;
	_ =	strace @p0 $0x8000004C  }
0x56: {  	[tilespmem:s20], [sflag:s14] =	stream.linear.gather @p0 [hbm4b:s15+s17], $0x800, $0x200038;
	[tilespmem:$0x11000] =	vst v63  }
0x57: {  	s25 =	sand.u32 $0x1, s19;
	_ =	strace @p0 $0x9000004C  }
0x58: {  	s14 =	sadd.s32 $0x1, s25;
	_ =	strace $0x8000004D  }
0x59: {  	_ =	swait.ge [sflag:s14], $0x800  }
0x5a: {  	[sflag:s14] =	ssyncset.done $0x0  }
0x5b: {  	[sflag:s14] =	ssyncadd.s32 $0xFFFFF800  }
0x5c: {  	s26 =	sadd.s32 s18, s16;
	_ =	strace $0x9000004D  }
0x5d: {  	s14 =	sand.u32 $0x1, s26;
	_ =	strace $0x8000004E  }
0x5e: {  	s30 =	sshll.u32 s19, $0xB;
	s31 =	sshll.u32 s14, $0xF;
	s28 =	rddreg [dreg:$0x4]  }
0x5f: {  	s17 =	sand.u32 $0x800, s30;
	s18 =	sor.u32 $0x1000, s31;
	s29 =	rddreg [dreg:$0x3]  }
0x60: {  	[tilespmem:s18], [sflag:$0x5] =	stream.indirect.gather [hbm4b:s29+s28], $0x10, s17, s28, $0x2000b8;
	[tilespmem:$0x11000] =	vst v63  }
0x61: {  	_ =	swait.ge [sflag:s8], $0x8000  }
0x62: {  	[sflag:s8] =	ssyncset.done $0x0  }
0x63: {  	p5 =	por p3, p3;
	p6 =	seq.s32 s12, $0x1;
	[sflag:s8] =	ssyncadd.s32 $0xFFFF8000  }
0x64: {  	s11 =	sadd.s32 s4, s11;
	p0 =	por p6, p5;
	_ =	strace $0x9000004E  }
0x65: {  	s11 =	sshll.u32 @p0 s11, $0xC;
	_ =	strace @p0 $0x8000004F  }
0x66: {  	s13 =	sadd.s32 s21, s13;
	s11 =	sand.u32 @p0 $0x1FFFF000, s11;
	s12 =	rddreg [dreg:$0x5]  }
0x67: {  	s14 =	sadd.s32 @p0 $0x3, s14;
	s11 =	sadd.s32 @p0 s12, s11;
	s12 =	simm.s32 @p0 $0x0  }
0x68: {  	[hbm4b:s11+s12] =	stream.linear.scatter @p0 [tilespmem:s18], [sflag:s14], $0x8000, $0x200038;
	[tilespmem:$0x11000] =	vst v63  }
0x69: {  	p1 =	por p2, p2;
	s11 =	sand.u32 @!p2 $0x1, s13;
	_ =	strace @p0 $0x9000004F  }
0x6a: {  	s11 =	sadd.s32 @!p1 $0x3, s11;
	_ =	strace @!p1 $0x80000050  }
0x6b: {  	_ =	swait.ge @!p1 [sflag:s11], $0x8000  }
0x6c: {  	[sflag:s11] =	ssyncset.done @!p1 $0x0  }
0x6d: {  	s10 =	sadd.s32 $0x1, s10;
	[sflag:s11] =	ssyncadd.s32 @!p1 $0xFFFF8000  }
0x6e: {  	p0 =	sne.s32 s10, s6;
	_ =	strace @!p1 $0x90000050  }
.Ltmp1:
0x6f: {  	_ =	strace $0x80000051;
	(pc) =	sbr.rel @p0 .LBB2_1-.Ltmp1, $4  }
0x70: {  	_ =	swait.ge [sflag:s9], $0x8000  }
0x71: {  	[sflag:s9] =	ssyncset.done $0x0  }
0x72: {  	[sflag:s9] =	ssyncadd.s32 $0xFFFF8000  }
0x73: {  	_ =	strace $0x90000051  }
0x74: {  	_ =	sfence.sel $0x180000  }
0x75: {  	[bflag:$0x0] =	sbarrier.arrive $0xFFFF  }
0x76: {  	p0 =	sne.s32 s1, $0x0;
	_ =	strace $0x9000004A  }
0x77: {  	s0 =	sadd.s32 @!p0 $0x100000, s0;
	[bflag:$0x2] =	sbarrier.arrive $0xFFFF  }
0x78: {  	[sflag:s0] =	ssyncadd.tile.s32 @!p0 $0x1;
	_ =	shalt  }
.Lfunc_end2:
_tile_overlayer_lowered:
.L_overlay_start_2:
0x79: {  	(tag) =	ssettag $0x2  }
0x7a: {  	s0 =	rddreg [dreg:$0x0];
	s2 =	stileid.u32  }
0x7b: {  	s1 =	rddreg [dreg:$0x1];
	p0 =	sne.s32 s2, $0x0  }
0x7c: {  	s3 =	rddreg [dreg:$0x2];
	[bflag:$0x3] =	sbarrier.arrive $0xFFFF;
	s2 =	simm.s32 @!p0 $0x1C01  }
0x7d: {  	[timem:s3], [sflag:s2] =	dma.local @!p0 [hbm:s0], s1  }
0x7e: {  	s0 =	simm.s32 @!p0 $0x1  }
0x7f: {  	_ =	swait.ge @!p0 [sflag:s0], s1  }
0x80: {  	s1 =	ssub.s32 @!p0 $0x0, s1;
	[sflag:s0] =	ssyncset.done @!p0 $0x0  }
0x81: {  	[sflag:s0] =	ssyncadd.s32 @!p0 s1  }
0x82: {  	[bflag:$0x3] =	sbarrier.arrive $0xFFFF  }
0x83: {  	_ =	shalt  }

// kernel: sparse-core-data-format-call.cloned.1.call-start
scs
called_computation_lowered:
.L_overlay_start_0:
0x0: {  	s1 =	sld [smem:$0x3FD9]  }
0x1: {  	s2 =	sld [smem:$0x3FFE];
	_ =	sdelay $0x1  }
0x2: {  	s3 =	srdreg.scid  }
0x3: {  	s0 =	sand.u32 $0x1, s3  }
0x4: {  	s17 =	sshll.u32 s0, $0xA;
	s1 =	sadd.s32 s2, s1  }
0x5: {  	s1 =	sadd.s32 s1, s17  }
0x6: {  	[smem:$0x3FB9] =	sst s1  }
0x7: {  	_ = 	snop  }
0x8: {  	(tm) =	ssettm $0x1  }
0x9: {  	s18 =	sld [smem:$0x3FFB];
	_ =	sdelay $0x3  }
0xa: {  	_ =	strace s18  }
0xb: {  	s1 =	sld [smem:$0x3FFC];
	_ =	sdelay $0x3  }
0xc: {  	_ =	strace s1  }
0xd: {  	s1 =	sld [smem:$0x3FFD];
	_ =	sdelay $0x3  }
0xe: {  	_ =	strace s1  }
0xf: {  	_ =	strace $0x8FFFFFFF  }
0x10: {  	s19 =	sld [smem:$0x3FDB];
	_ =	sdelay $0x1  }
0x11: {  	s20 =	simm.s32 $_scs_section_size  }
0x12: {  	s4 =	simm.s32 $_size__tile_overlayer_lowered;
	s5 =	simm.s32 $_tile_overlayer_lowered  }
0x13: {  	s23 =	simm.s32 $0x1BFF;
	s22 =	sshll.u32 s5, $0x1;
	s1 =	sadd.s32 s20, s19  }
0x14: {  	s6 =	simm.s32 $0x0;
	s21 =	sshll.u32 s4, $0x1;
	s4 =	sadd.s32 s22, s1  }
0x15: {  	[timem:s6], [sflag:s23] =	dma.local [hbm:s4], s21  }
0x16: {  	_ =	swait.ge [sflag:s23], s21  }
0x17: {  	s2 =	ssub.s32 $0x0, s21;
	[sflag:s23] =	ssyncset.done $0x0  }
0x18: {  	[sflag:s23] =	ssyncadd.s32 s2;
	_ =	sdelay $0x1  }
0x19: {  	s24 =	simm.s32 $0x1B8B  }
0x1a: {  	_ =	swait.ge [sflag:s24], $0x1  }
0x1b: {  	[sflag:s24] =	ssyncset.done $0x0  }
0x1c: {  	s26 =	simm.s32 $0x1B8E;
	s25 =	sld [smem:$0x3FFE];
	[sflag:s24] =	ssyncadd.s32 $0xFFFFFFFF  }
0x1d: {  	s27 =	simm.s32 $execute0_lowered;
	[smem:$0x3FD2] =	sst s26  }
0x1e: {  	s4 =	sshll.u32 s27, $0x1;
	_ =	strace $0x80000046;
	[dreg:$0x1] =	wrdreg $0xFFFFFFFF  }
0x1f: {  	s28 =	simm.s32 $_size_execute0_lowered;
	s1 =	sadd.s32 s1, s4;
	[dreg:$0x0] =	wrdreg $0x0  }
0x20: {  	s4 =	sshll.u32 s28, $0x1;
	[dreg:$0x2] =	wrdreg s1  }
0x21: {  	[dreg:$0x3] =	wrdreg s4  }
0x22: {  	[dreg:$0x4] =	wrdreg $0xC0  }
0x23: {  	_ =	task [dreg:s6], $0x5FFFF  }
0x24: {  	[dreg:$0x1] =	wrdreg $0xFFFFFFFF  }
0x25: {  	[dreg:$0x0] =	wrdreg $0x60  }
0x26: {  	[dreg:$0x2] =	wrdreg s25  }
0x27: {  	[dreg:$0x3] =	wrdreg $0x9  }
0x28: {  	_ =	task.clear_ibuf [dreg:s6], $0x4FFFF;
	_ =	strace $0x90000046  }
0x29: {  	s29 =	simm.s32 $0x9;
	_ =	strace $0x80000048  }
0x2a: {  	_ =	swait.ge [sflag:s29], $0x1  }
0x2b: {  	[sflag:s29] =	ssyncadd.s32 $0xFFFFFFFF  }
0x2c: {  	_ =	strace $0x90000048  }
0x2d: {  	_ =	sfence  }
0x2e: {  	s30 =	sld [smem:$0x0];
	_ =	sdelay $0x2  }
0x2f: {  	s31 =	sshll.u32 s3, $0xD;
	s3 =	sshrl.u32 s3, $0x2  }
0x30: {  	s2 =	sand.u32 $0x4000, s31;
	s1 =	sadd.s32 s3, s30  }
0x31: {  	s0 =	sor.u32 s2, s0;
	s1 =	sshll.u32 s1, $0x11  }
0x32: {  	s0 =	sor.u32 s1, s0  }
0x33: {  	s0 =	sadd.s32 $0x8F2B, s0  }
0x34: {  	[sflag:s0] =	ssyncadd.remote.s32 $0x1  }
0x35: {  	_ =	sfence.sel $0xFFFF  }
0x36: {  	[dreg:$0x0] =	wrdreg $0xFFFFFFFF;
	(pc) =	sbr.abs _section_cstart, $3  }
0x37: {  	[dreg:$0x1] =	wrdreg $0xFFFFFFFF  }
0x38: {  	_ =	task.clear_ibuf [dreg:s6], $0x2FFFF;
	_ =	strace $0x9FFFFFFF  }
0x39: {  	(tm) =	ssettm $0x7FFFFFFF  }
tec
execute0_lowered:
.L_overlay_start_1:
0x0: {  	(tag) =	ssettag $0x1  }
0x1: {  	s0 =	srdreg.scid  }
0x2: {  	s5 =	rddreg [dreg:$0x0];
	s1 =	stileid.u32;
	s4 =	simm.s32 $0x1  }
0x3: {  	s6 =	simm.s32 $0x2;
	s15 =	simm.s32 $0x0;
	p0 =	por $0x0, $0x0  }
0x4: {  	s8 =	simm.s32 $0x80;
	s14 =	simm.s32 $0x0;
	s2 =	sshll.u32 s0, $0x4  }
0x5: {  	s9 =	simm.s32 $0x0;
	s10 =	simm.s32 $0x0;
	s2 =	sand.u32 $0x10, s2  }
.Ltmp0:
0x6: {  	s12 =	simm.s32 $0x0;
	s3 =	sor.u32 s1, s2;
	(pc) =	sbr.rel .LBB1_1-.Ltmp0, $4  }
0x7: {  	s0 =	rddreg [dreg:$0x1];
	_ =	strace $0x80000047;
	s3 =	sshll.u32 s3, $0x7  }
0x8: {  	s13 =	simm.s32 $0x0;
	[sflag:s4] =	ssyncpa.u1 $0x0;
	s7 =	ssub.s32 $0x1A9100, s3  }
0x9: {  	s2 =	sadd.s32 $0x5E00, s5;
	[sflag:s6] =	ssyncpa.u1 $0x0;
	s6 =	sshrl.u32 s7, $0xC  }
0xa: {  	s5 =	sadd.s32 $0x358200, s5;
	s11 =	smov.u32 s3;
	s7 =	sor.u32 $0x2, s6  }
.LBB1_5:
0xb: {  	p1 =	slt.u32 s13, $0x2  }
0xc: {  	s17 =	smov.u32 s15;
	p2 =	sgt.s32 @!p1 s15, $0x1A90B8;
	s16 =	sshra.s32 @!p1 s15, $0x1F  }
0xd: {  	p3 =	sgt.s32 @!p1 s14, $0x70;
	s18 =	sshra.s32 @!p1 s14, $0x1F;
	p2 =	por !p2, p1  }
0xe: {  	s15 =	sand.u32 @!p1 s16, s15;
	p3 =	por !p3, p1;
	s16 =	smov.u32 s14  }
0xf: {  	s14 =	sand.u32 @!p1 s18, s14;
	s17 =	simm.s32 @p2 $0x1A90B8;
	s16 =	simm.s32 @p3 $0x70  }
0x10: {  	s15 =	ssub.s32 @!p1 s17, s15;
	s14 =	ssub.s32 @!p1 s16, s14  }
0x11: {  	s18 =	smov.u32 s12;
	s16 =	sadd.s32 @!p1 $0xFFE56F48, s15;
	s17 =	sadd.s32 @!p1 $0xFFFFFF90, s14  }
0x12: {  	s15 =	ssub.s32 @!p1 $0x1A9138, s15;
	p2 =	sgt.s32 @!p1 s16, $0x7F;
	p3 =	sgt.s32 @!p1 s17, $0xF  }
0x13: {  	s14 =	ssub.s32 @!p1 $0x80, s14;
	p2 =	por !p2, p1;
	p3 =	por !p3, p1  }
0x14: {  	s16 =	sadd.s32 $0x1000, s11;
	s15 =	simm.s32 @!p2 $0x0;
	s14 =	simm.s32 @!p3 $0x0  }
0x15: {  	p2 =	sgt.s32 s16, $0x1A9134;
	s14 =	smul.u32 @!p1 s14, s15;
	s15 =	sadd.s32 $0x10, s12  }
0x16: {  	s18 =	smov.u32 @p2 s15  }
0x17: {  	s16 =	smov.u32 @p2 s3;
	p2 =	sgt.s32 s18, $0xF  }
0x18: {  	s18 =	simm.s32 @p2 $0x0;
	p2 =	sne.s32 s13, s7  }
.Ltmp1:
0x19: {  	p0 =	por !p0, !p0;
	s17 =	simm.s32 @!p1 $0x2;
	(pc) =	sbr.rel @!p2 .LBB1_6-.Ltmp1, $4  }
0x1a: {  	s15 =	smov.u32 s9;
	s9 =	smov.u32 s11;
	s14 =	sand.u32 @!p1 $0x3FFFFFFF, s14  }
0x1b: {  	s11 =	smov.u32 s16;
	_ =	swait.ge @!p1 [sflag:s17], s14;
	s19 =	ssub.s32 @!p1 $0x0, s14  }
0x1c: {  	s14 =	smov.u32 s10;
	s13 =	sadd.s32 $0x1, s13;
	[sflag:s17] =	ssyncset.done @!p1 $0x0  }
0x1d: {  	s10 =	smov.u32 s12;
	s12 =	smov.u32 s18;
	[sflag:s17] =	ssyncadd.s32 @!p1 s19  }
.LBB1_1:
0x1e: {  	p1 =	sgt.u32 s13, s6  }
0x1f: {  	s16 =	sshrl.u32 @!p1 s12, $0x3  }
0x20: {  	s17 =	sshll.u32 @!p1 s11, $0x3;
	s16 =	smul.u32 @!p1 $0xD48C00, s16  }
0x21: {  	s18 =	sshll.u32 @!p1 s12, $0x7;
	s17 =	sand.u32 @!p1 $0xFFFFFC00, s17  }
0x22: {  	s16 =	sadd.s32 @!p1 s16, s17;
	s17 =	sand.u32 @!p1 $0x380, s18  }
0x23: {  	s16 =	sor.u32 @!p1 s17, s16  }
0x24: {  	s17 =	sshrl.u32 @!p1 s16, $0x7  }
0x25: {  	s17 =	smulhi.u32 @!p1 $0x268AC63, s17;
	_ =	sdelay $0x1  }
0x26: {  	s17 =	sshrl.u32 @!p1 s17, $0x7  }
0x27: {  	s18 =	sand.u32 @!p1 $0x7F, s11;
	s19 =	smul.u32 @!p1 $0x1A9180, s17  }
0x28: {  	s16 =	sor.u32 @!p1 s18, s16;
	s18 =	sxor.u32 @!p1 $0xFFFFFFFF, s13  }
0x29: {  	s18 =	sshll.u32 @!p1 s18, $0xB;
	s17 =	sand.u32 @!p1 $0xF, s17;
	s16 =	ssub.s32 @!p1 s16, s19  }
0x2a: {  	s17 =	smul.u32 @!p1 $0x35230, s17;
	s19 =	sshrl.u32 @!p1 s16, $0x3;
	s16 =	sand.u32 @!p1 $0x7, s16  }
0x2b: {  	s18 =	sand.u32 @!p1 $0x800, s18;
	s19 =	sadd.s32 @!p1 s2, s19;
	s16 =	sshll.u32 @!p1 s16, $0x12  }
0x2c: {  	s17 =	sadd.s32 @!p1 s17, s19;
	s16 =	sor.u32 @!p1 $0x400, s16;
	s19 =	simm.s32 @!p1 $0xD48C00  }
0x2d: {  	[tilespmem:s18], [sflag:$0x1] =	stream.strided.gather @!p1 [hbm4b:s17+s16], $0x800, s19, s16, $0x38;
	[tilespmem:$0x2100] =	vst v63  }
0x2e: {  	p1 =	seq.s32 s13, $0x0  }
0x2f: {  	p2 =	sge.u32 @!p1 s13, s7  }
0x30: {  	p1 =	por p1, p2  }
.Ltmp2:
0x31: {  	_ = 	snop;
	(pc) =	sbr.rel @p1 .LBB1_5-.Ltmp2, $1  }
0x32: {  	_ =	sdelay $0x3  }
0x33: {  	s16 =	simm.s32 $0x1  }
0x34: {  	_ =	swait.ge [sflag:s4], $0x800;
	s16 =	simm.s32 @!p0 $0x0  }
0x35: {  	[sflag:s4] =	ssyncset.done $0x0;
	s17 =	sshll.u32 s16, $0xB  }
0x36: {  	[sflag:s4] =	ssyncadd.s32 $0xFFFFF800;
	s18 =	sor.u32 $0x40, s17  }
0x37: {  	s16 =	smul.u32 $0x2200, s16;
	v0 =	vld [tilespmem:s18+$0x30]  }
0x38: {  	v1 =	vld [tilespmem:s18+$0xFFFFFFD0]  }
0x39: {  	s16 =	sshrl.u32 s16, $0x2;
	v5 =	vld [tilespmem:s18+$0xFFFFFFE0]  }
0x3a: {  	v6 =	vld [tilespmem:s18+$0xFFFFFFF0];
	s19 =	sor.u32 $0x1000, s16  }
0x3b: {  	s31 =	sand.u32 $0x1, s13;
	v4 =	vld [tilespmem:s18+$0x0];
	s17 =	sadd.s32 $0x0, s19  }
0x3c: {  	v3 =	vld [tilespmem:s18+$0x10];
	s16 =	smul.u32 $0x2200, s31;
	[tilespmem:s17+$0x770 ss:$0x11] =	vst.msk $0xffff, v0  }
0x3d: {  	v2 =	vld [tilespmem:s18+$0x20];
	[tilespmem:s17+$0x110 ss:$0x11] =	vst.msk $0xffff, v1  }
0x3e: {  	s16 =	sshrl.u32 s16, $0x2;
	v1 =	vld [tilespmem:s18+$0xFFFFFFC0];
	[tilespmem:s17+$0x220 ss:$0x11] =	vst.msk $0xffff, v5;
	s18 =	sadd.s32 $0x80, s18  }
0x3f: {  	s20 =	simm.s32 $0x4;
	s21 =	simm.s32 $0x8;
	s16 =	sor.u32 $0x1000, s16;
	[tilespmem:s17+$0x330 ss:$0x11] =	vst.msk $0xffff, v6;
	v0 =	vld [tilespmem:s18+$0x30]  }
.LBB1_3:
0x40: {  	p1 =	sne.s32 s21, $0x3C;
	v5 =	vld [tilespmem:s18+$0xFFFFFFD0];
	[tilespmem:s17+$0x440 ss:$0x11] =	vst.msk $0xffff, v4  }
0x41: {  	v6 =	vld [tilespmem:s18+$0xFFFFFFE0];
	[tilespmem:s17+$0x550 ss:$0x11] =	vst.msk $0xffff, v3  }
0x42: {  	s22 =	sshra.s32 s20, $0x2;
	s20 =	smov.u32 s21;
	v7 =	vld [tilespmem:s18+$0xFFFFFFF0];
	[tilespmem:s17+$0x660 ss:$0x11] =	vst.msk $0xffff, v2  }
.Ltmp3:
0x43: {  	v4 =	vld [tilespmem:s18+$0x0];
	[tilespmem:s17+$0x0 ss:$0x11] =	vst.msk $0xffff, v1;
	s17 =	sadd.s32 s22, s19;
	(pc) =	sbr.rel @p1 .LBB1_3-.Ltmp3, $4  }
0x44: {  	v3 =	vld [tilespmem:s18+$0x10];
	[tilespmem:s17+$0x770 ss:$0x11] =	vst.msk $0xffff, v0  }
0x45: {  	[tilespmem:s17+$0x110 ss:$0x11] =	vst.msk $0xffff, v5;
	v2 =	vld [tilespmem:s18+$0x20]  }
0x46: {  	v1 =	vld [tilespmem:s18+$0xFFFFFFC0];
	[tilespmem:s17+$0x220 ss:$0x11] =	vst.msk $0xffff, v6;
	s18 =	sadd.s32 $0x80, s18  }
0x47: {  	s21 =	sadd.s32 $0x4, s21;
	v0 =	vld [tilespmem:s18+$0x30];
	[tilespmem:s17+$0x330 ss:$0x11] =	vst.msk $0xffff, v7  }
0x48: {  	s21 =	sshll.u32 s9, $0x7;
	s22 =	sshll.u32 s10, $0x3;
	s20 =	sshra.s32 s20, $0x2  }
0x49: {  	p1 =	sgt.s32 s9, $0x1A90B8;
	s23 =	sand.u32 $0xFFFFFC00, s21;
	s22 =	sand.u32 $0xFFFFFC00, s22  }
0x4a: {  	v5 =	vld [tilespmem:s18+$0xFFFFFFD0];
	s30 =	sshra.s32 s9, $0x1F;
	s21 =	sand.u32 $0x380, s21;
	s22 =	sadd.s32 s22, s23  }
0x4b: {  	v6 =	vld [tilespmem:s18+$0xFFFFFFE0];
	[tilespmem:s17+$0x440 ss:$0x11] =	vst.msk $0xffff, v4;
	s25 =	sshra.s32 s10, $0x1F;
	s19 =	sadd.s32 s20, s19;
	s29 =	sor.u32 s21, s22  }
0x4c: {  	v60 =	vld [tilespmem:s18+$0xFFFFFFF0];
	[tilespmem:s17+$0x550 ss:$0x11] =	vst.msk $0xffff, v3;
	s21 =	smov.u32 s9;
	s22 =	sand.u32 s30, s9;
	s30 =	sand.u32 $0x7, s10  }
0x4d: {  	v61 =	vld [tilespmem:s18+$0x0];
	[tilespmem:s17+$0x660 ss:$0x11] =	vst.msk $0xffff, v2;
	s20 =	sshrl.u32 s29, $0x7;
	s21 =	simm.s32 @!p1 $0x1A90B8;
	p1 =	sgt.s32 s10, $0x70  }
0x4e: {  	v62 =	vld [tilespmem:s18+$0x10];
	[tilespmem:s17+$0x0 ss:$0x11] =	vst.msk $0xffff, v1;
	s29 =	sshrl.u32 s10, $0x3;
	s24 =	ssub.s32 s21, s22;
	s21 =	smov.u32 s10  }
0x4f: {  	v63 =	vld [tilespmem:s18+$0x20];
	[tilespmem:s19+$0x770 ss:$0x11] =	vst.msk $0xffff, v0;
	s31 =	smulhi.u32 $0x1345975, s20;
	s22 =	sand.u32 s25, s10;
	s21 =	simm.s32 @!p1 $0x70  }
0x50: {  	[tilespmem:s19+$0x110 ss:$0x11] =	vst.msk $0xffff, v5;
	s27 =	sadd.s32 $0xFFE56F48, s24;
	s17 =	ssub.s32 $0x1A9138, s24;
	s21 =	ssub.s32 s21, s22  }
0x51: {  	v7 =	vld [tilespmem:s18+$0xFFFFFFC0];
	[tilespmem:s19+$0x220 ss:$0x11] =	vst.msk $0xffff, v6;
	s26 =	sshrl.u32 s31, $0xD;
	p1 =	sgt.s32 s27, $0x7F;
	s28 =	sadd.s32 $0xFFFFFF90, s21  }
0x52: {  	[tilespmem:s19+$0x330 ss:$0x11] =	vst.msk $0xffff, v60;
	s18 =	smul.u32 $0x1A9138, s26;
	s21 =	ssub.s32 $0x80, s21;
	p2 =	sgt.s32 s28, $0xF  }
.Ltmp4:
0x53: {  	[tilespmem:s19+$0x440 ss:$0x11] =	vst.msk $0xffff, v61;
	s17 =	simm.s32 @p1 $0x0;
	s21 =	simm.s32 @p2 $0x0;
	(pc) =	sbr.rel .LBB1_5-.Ltmp4, $4  }
0x54: {  	[tilespmem:s19+$0x550 ss:$0x11] =	vst.msk $0xffff, v62;
	s18 =	ssub.s32 s20, s18;
	s20 =	sand.u32 $0xF, s29;
	s17 =	smul.u32 s21, s17  }
0x55: {  	[tilespmem:s19+$0x660 ss:$0x11] =	vst.msk $0xffff, v63;
	s18 =	sshll.u32 s18, $0x4;
	s20 =	sadd.s32 s5, s20;
	s21 =	sshll.u32 s30, $0x12  }
0x56: {  	[tilespmem:s19+$0x0 ss:$0x11] =	vst.msk $0xffff, v7;
	s18 =	sadd.s32 s18, s20;
	s31 =	sor.u32 $0x10, s21;
	s17 =	sand.u32 $0x3FFFFFFF, s17  }
0x57: {  	[hbm4b:s18+s31] =	stream.strided.scatter [tilespmem:s16], [sflag:$0x2], s17, s8, s31, $0x8;
	[tilespmem:$0x2100] =	vst v63  }
.LBB1_6:
0x58: {  	_ =	sfence.sel $0x180000  }
0x59: {  	s2 =	simm.s32 $0x1;
	[bflag:$0x0] =	sbarrier.arrive $0xFFFF  }
0x5a: {  	s31 =	simm.s32 $0x2;
	[sflag:s2] =	ssyncpa.u1 $0x1  }
0x5b: {  	[sflag:s31] =	ssyncpa.u1 $0x1  }
0x5c: {  	p0 =	sne.s32 s1, $0x0;
	_ =	strace $0x90000047  }
0x5d: {  	s0 =	sadd.s32 @!p0 $0x100000, s0;
	[bflag:$0x2] =	sbarrier.arrive $0xFFFF  }
0x5e: {  	[sflag:s0] =	ssyncadd.tile.s32 @!p0 $0x1;
	_ =	shalt  }
.Lfunc_end1:
_tile_overlayer_lowered:
.L_overlay_start_2:
0x5f: {  	(tag) =	ssettag $0x2  }
0x60: {  	s0 =	rddreg [dreg:$0x0];
	s2 =	stileid.u32  }
0x61: {  	s1 =	rddreg [dreg:$0x1];
	p0 =	sne.s32 s2, $0x0  }
0x62: {  	s3 =	rddreg [dreg:$0x2];
	[bflag:$0x3] =	sbarrier.arrive $0xFFFF;
	s2 =	simm.s32 @!p0 $0x1C01  }
0x63: {  	[timem:s3], [sflag:s2] =	dma.local @!p0 [hbm:s0], s1  }
0x64: {  	s0 =	simm.s32 @!p0 $0x1  }
0x65: {  	_ =	swait.ge @!p0 [sflag:s0], s1  }
0x66: {  	s1 =	ssub.s32 @!p0 $0x0, s1;
	[sflag:s0] =	ssyncset.done @!p0 $0x0  }
0x67: {  	[sflag:s0] =	ssyncadd.s32 @!p0 s1  }
0x68: {  	[bflag:$0x3] =	sbarrier.arrive $0xFFFF  }
0x69: {  	_ =	shalt  }

</sc_bundles>
